<compile_context>
chip_gen: v7x
topology: tpu7x:2x2x1
jax: 0.10.2.dev20260603
libtpu: 0.0.44.dev20260713+nightly
codegen_flags: <defaults>
</compile_context>

<pallas_src>
import functools
import jax
import jax.numpy as jnp
from jax import lax
from jax.experimental import pallas as pl
from jax.experimental.pallas import tpu as pltpu
from jax.experimental.pallas import tpu_sc as plsc

_B, _H, _V, _D = 8, 16, 8192, 64
_N = 4096
_NC, _NS = 2, 16
_NW = _NC * _NS
_R = _B * _H * _D
_RPW = _R // _NW
_RPB = 2
_NB = _RPW // _RPB
_RING = 4


def _sc_gather(tt, idx):
    mesh = plsc.VectorSubcoreMesh(core_axis_name="c", subcore_axis_name="s")

    @functools.partial(
        pl.kernel,
        out_type=jax.ShapeDtypeStruct((_R, _N), jnp.float32),
        mesh=mesh,
        compiler_params=pltpu.CompilerParams(needs_layout_passes=False),
        scratch_types=(
            [pltpu.VMEM((_N,), jnp.int32)]
            + [pltpu.VMEM((_RPB, _V), jnp.float32) for _ in range(_RING)]
            + [pltpu.VMEM((_RPB, _N), jnp.float32) for _ in range(2)]
            + [pltpu.SemaphoreType.DMA for _ in range(_RING + 2)]
        ),
    )
    def body(t_hbm, idx_hbm, out_hbm, idx_v, *bufs):
        rbs = bufs[:_RING]
        cbs = bufs[_RING:_RING + 2]
        gss = bufs[_RING + 2:2 * _RING + 2]
        sss = bufs[2 * _RING + 2:]
        cid = lax.axis_index("c")
        sid = lax.axis_index("s")
        wid = sid * _NC + cid
        base = wid * _RPW
        pltpu.sync_copy(idx_hbm, idx_v)

        def issue_read(b, rb, sem):
            pltpu.async_copy(
                t_hbm.at[pl.ds(base + b * _RPB, _RPB)], rb, sem
            )

        def wait_read(rb, sem):
            pltpu.make_async_copy(
                t_hbm.at[pl.ds(0, _RPB)], rb, sem
            ).wait()

        kvs = [jnp.full((16,), k, jnp.int32) for k in range(_RPB)]

        def gather(rb, cb):
            @plsc.parallel_loop(0, _N // 16, 1, unroll=4)
            def grp(g):
                iv = idx_v[pl.ds(g * 16, 16)]
                for k in range(_RPB):
                    cb[k, pl.ds(g * 16, 16)] = plsc.load_gather(
                        rb, [kvs[k], iv]
                    )

        def issue_store(b, cb, sem):
            pltpu.async_copy(
                cb, out_hbm.at[pl.ds(base + b * _RPB, _RPB)], sem
            )

        def wait_store(cb, sem):
            pltpu.make_async_copy(
                cb, out_hbm.at[pl.ds(0, _RPB)], sem
            ).wait()

        for j in range(_RING):
            issue_read(j, rbs[j], gss[j])

        def loop(i, carry):
            for j in range(_RING):
                b = _RING * i + j
                wait_read(rbs[j], gss[j])

                @pl.when((i > 0) | (j >= 2))
                def _():
                    wait_store(cbs[j % 2], sss[j % 2])

                gather(rbs[j], cbs[j % 2])
                issue_store(b, cbs[j % 2], sss[j % 2])

                @pl.when(i < _NB // _RING - 1)
                def _():
                    issue_read(b + _RING, rbs[j], gss[j])

            return carry

        lax.fori_loop(0, _NB // _RING, loop, 0)
        wait_store(cbs[0], sss[0])
        wait_store(cbs[1], sss[1])

    return body(tt, idx)


def kernel(t, idx):
    tt = jnp.transpose(t, (0, 1, 3, 2)).reshape(_R, _V)
    out_t = _sc_gather(tt, idx.astype(jnp.int32))
    return jnp.transpose(out_t.reshape(_B, _H, _D, _N), (0, 1, 3, 2))

# --- scband reference (transcript-rebuilt; emitter-appended) ---
"""Pipeline reference for scband-index-model5-34153579938280 (READ-ONLY COPY).

The authoritative reference and input builder live on the scoring server;
editing this copy changes nothing except your own understanding.
"""

import jax, jax.numpy as jnp
import numpy as np


def setup_inputs(seed: int = 0) -> dict:
    key = jax.random.key(seed)
    k1, k2 = jax.random.split(key)
    t = jax.random.normal(k1, (8, 16, 8192, 64), dtype=jnp.float32)
    idx = jax.random.randint(k2, (4096,), 0, 8192, dtype=jnp.int64 if jax.config.jax_enable_x64 else jnp.int32)
    return {"t": t, "idx": idx}


def reference(t, idx):
    # Faithful translation of: return t[:, :, idx]
    return jnp.take(t, idx, axis=2)

if __name__ == "__main__":
    import jax
    _d = setup_inputs()
    print(jax.jit(kernel)(*tuple(_d.values())))

</pallas_src>

<mosaic_0001>
#map = affine_map<(d0, d1) -> (0, 0)>
#map1 = affine_map<(d0, d1) -> (0)>
module attributes {stable_mosaic.version = 14 : i64} {
  func.func @body(%arg0: i32, %arg1: i32, %arg2: memref<8192x8192xf32, #tpu.memory_space<hbm>>, %arg3: memref<4096xi32, #tpu.memory_space<hbm>>, %arg4: memref<8192x4096xf32, #tpu.memory_space<hbm>>, %arg5: memref<4096xi32, #tpu.memory_space<vmem>>, %arg6: memref<2x8192xf32, #tpu.memory_space<vmem>>, %arg7: memref<2x8192xf32, #tpu.memory_space<vmem>>, %arg8: memref<2x8192xf32, #tpu.memory_space<vmem>>, %arg9: memref<2x8192xf32, #tpu.memory_space<vmem>>, %arg10: memref<2x4096xf32, #tpu.memory_space<vmem>>, %arg11: memref<2x4096xf32, #tpu.memory_space<vmem>>, %arg12: memref<!tpu.dma_semaphore, #tpu.memory_space<semaphore_mem>>, %arg13: memref<!tpu.dma_semaphore, #tpu.memory_space<semaphore_mem>>, %arg14: memref<!tpu.dma_semaphore, #tpu.memory_space<semaphore_mem>>, %arg15: memref<!tpu.dma_semaphore, #tpu.memory_space<semaphore_mem>>, %arg16: memref<!tpu.dma_semaphore, #tpu.memory_space<semaphore_mem>>, %arg17: memref<!tpu.dma_semaphore, #tpu.memory_space<semaphore_mem>>) attributes {dimension_semantics = [#tpu.dimension_semantics<core_parallel>, #tpu.dimension_semantics<subcore_parallel>], iteration_bounds = array<i64: 2, 16>, scalar_prefetch = 0 : i64, scratch_operands = 13 : i64, tpu.core_type = #tpu.core_type<sc_vector_subcore>, window_params = [{transform_indices = #map}, {transform_indices = #map1}, {transform_indices = #map}]} {
    %mul3A = arith.constant 2 : i32
    %mul3A_0 = arith.muli %arg1, %mul3A : i32
    %add3A = arith.addi %mul3A_0, %arg0 : i32
    %mul3A_1 = arith.constant 256 : i32
    %mul3A_2 = arith.muli %add3A, %mul3A_1 : i32
    "tpu.region"() ({
      %run_scoped3A = tpu.sem_alloc : memref<!tpu.dma_semaphore, #tpu.memory_space<semaphore_mem>>
      tpu.enqueue_dma source(%arg3 : memref<4096xi32, #tpu.memory_space<hbm>>) target(%arg5 : memref<4096xi32, #tpu.memory_space<vmem>>) target_semaphore(%run_scoped3A : memref<!tpu.dma_semaphore, #tpu.memory_space<semaphore_mem>>)
      tpu.wait_dma2 semaphore(%run_scoped3A : memref<!tpu.dma_semaphore, #tpu.memory_space<semaphore_mem>>) src(%arg3 : memref<4096xi32, #tpu.memory_space<hbm>>) dst(%arg5 : memref<4096xi32, #tpu.memory_space<vmem>>)
      tpu.yield
    }) : () -> ()
    %broadcast_in_dim3A = arith.constant 0 : i32
    %broadcast_in_dim3A_3 = vector.broadcast %broadcast_in_dim3A : i32 to vector<16xi32>
    %broadcast_in_dim3A_4 = arith.constant 1 : i32
    %broadcast_in_dim3A_5 = vector.broadcast %broadcast_in_dim3A_4 : i32 to vector<16xi32>
    %add3A_6 = arith.constant 0 : i32
    %add3A_7 = arith.addi %mul3A_2, %add3A_6 : i32
    %dma_start3A = arith.constant 0 : i32
    %dma_start3A_8 = tpu.memref_slice %arg2[%add3A_7, %dma_start3A] : memref<8192x8192xf32, #tpu.memory_space<hbm>> -> memref<2x8192xf32, #tpu.memory_space<hbm>>
    %dma_start3A_9 = arith.constant 0 : i32
    %dma_start3A_10 = tpu.memref_slice %arg2[%add3A_7, %dma_start3A_9] : memref<8192x8192xf32, #tpu.memory_space<hbm>> -> memref<2x8192xf32, #tpu.memory_space<hbm>>
    tpu.enqueue_dma source(%dma_start3A_10 : memref<2x8192xf32, #tpu.memory_space<hbm>>) target(%arg6 : memref<2x8192xf32, #tpu.memory_space<vmem>>) target_semaphore(%arg12 : memref<!tpu.dma_semaphore, #tpu.memory_space<semaphore_mem>>)
    %add3A_11 = arith.constant 2 : i32
    %add3A_12 = arith.addi %mul3A_2, %add3A_11 : i32
    %dma_start3A_13 = arith.constant 0 : i32
    %dma_start3A_14 = tpu.memref_slice %arg2[%add3A_12, %dma_start3A_13] : memref<8192x8192xf32, #tpu.memory_space<hbm>> -> memref<2x8192xf32, #tpu.memory_space<hbm>>
    %dma_start3A_15 = arith.constant 0 : i32
    %dma_start3A_16 = tpu.memref_slice %arg2[%add3A_12, %dma_start3A_15] : memref<8192x8192xf32, #tpu.memory_space<hbm>> -> memref<2x8192xf32, #tpu.memory_space<hbm>>
    tpu.enqueue_dma source(%dma_start3A_16 : memref<2x8192xf32, #tpu.memory_space<hbm>>) target(%arg7 : memref<2x8192xf32, #tpu.memory_space<vmem>>) target_semaphore(%arg13 : memref<!tpu.dma_semaphore, #tpu.memory_space<semaphore_mem>>)
    %add3A_17 = arith.constant 4 : i32
    %add3A_18 = arith.addi %mul3A_2, %add3A_17 : i32
    %dma_start3A_19 = arith.constant 0 : i32
    %dma_start3A_20 = tpu.memref_slice %arg2[%add3A_18, %dma_start3A_19] : memref<8192x8192xf32, #tpu.memory_space<hbm>> -> memref<2x8192xf32, #tpu.memory_space<hbm>>
    %dma_start3A_21 = arith.constant 0 : i32
    %dma_start3A_22 = tpu.memref_slice %arg2[%add3A_18, %dma_start3A_21] : memref<8192x8192xf32, #tpu.memory_space<hbm>> -> memref<2x8192xf32, #tpu.memory_space<hbm>>
    tpu.enqueue_dma source(%dma_start3A_22 : memref<2x8192xf32, #tpu.memory_space<hbm>>) target(%arg8 : memref<2x8192xf32, #tpu.memory_space<vmem>>) target_semaphore(%arg14 : memref<!tpu.dma_semaphore, #tpu.memory_space<semaphore_mem>>)
    %add3A_23 = arith.constant 6 : i32
    %add3A_24 = arith.addi %mul3A_2, %add3A_23 : i32
    %dma_start3A_25 = arith.constant 0 : i32
    %dma_start3A_26 = tpu.memref_slice %arg2[%add3A_24, %dma_start3A_25] : memref<8192x8192xf32, #tpu.memory_space<hbm>> -> memref<2x8192xf32, #tpu.memory_space<hbm>>
    %dma_start3A_27 = arith.constant 0 : i32
    %dma_start3A_28 = tpu.memref_slice %arg2[%add3A_24, %dma_start3A_27] : memref<8192x8192xf32, #tpu.memory_space<hbm>> -> memref<2x8192xf32, #tpu.memory_space<hbm>>
    tpu.enqueue_dma source(%dma_start3A_28 : memref<2x8192xf32, #tpu.memory_space<hbm>>) target(%arg9 : memref<2x8192xf32, #tpu.memory_space<vmem>>) target_semaphore(%arg15 : memref<!tpu.dma_semaphore, #tpu.memory_space<semaphore_mem>>)
    %scan3A = arith.constant 0 : i32
    %scan3A_29 = arith.constant 0 : i32
    %scan3A_30 = arith.constant 32 : i32
    %scan3A_31 = arith.addi %scan3A_29, %scan3A_30 : i32
    %scan3A_32 = arith.constant 1 : i32
    scf.for %scan3A_45 = %scan3A_29 to %scan3A_31 step %scan3A_32  : i32 {
      %mul3A_46 = arith.constant 4 : i32
      %mul3A_47 = arith.muli %mul3A_46, %scan3A_45 : i32
      %add3A_48 = arith.constant 0 : i32
      %add3A_49 = arith.addi %mul3A_47, %add3A_48 : i32
      %dma_wait3A_50 = arith.constant 0 : i32
      %dma_wait3A_51 = arith.constant 0 : i32
      %dma_wait3A_52 = tpu.memref_slice %arg2[%dma_wait3A_50, %dma_wait3A_51] : memref<8192x8192xf32, #tpu.memory_space<hbm>> -> memref<2x8192xf32, #tpu.memory_space<hbm>>
      %dma_wait3A_53 = arith.constant 0 : i32
      %dma_wait3A_54 = arith.constant 0 : i32
      %dma_wait3A_55 = tpu.memref_slice %arg2[%dma_wait3A_53, %dma_wait3A_54] : memref<8192x8192xf32, #tpu.memory_space<hbm>> -> memref<2x8192xf32, #tpu.memory_space<hbm>>
      tpu.wait_dma2 semaphore(%arg12 : memref<!tpu.dma_semaphore, #tpu.memory_space<semaphore_mem>>) src(%dma_wait3A_55 : memref<2x8192xf32, #tpu.memory_space<hbm>>) dst(%arg6 : memref<2x8192xf32, #tpu.memory_space<vmem>>)
      %gt3A = arith.constant 0 : i32
      %gt3A_56 = arith.cmpi sgt, %scan3A_45, %gt3A : i32
      %or3A = arith.constant false
      %or3A_57 = arith.ori %gt3A_56, %or3A : i1
      %convert_element_type3A = arith.extui %or3A_57 : i1 to i32
      %cond3A = arith.constant 0 : i32
      %cond3A_58 = arith.cmpi ne, %convert_element_type3A, %cond3A : i32
      scf.if %cond3A_58 {
        %dma_wait3A_168 = arith.constant 0 : i32
        %dma_wait3A_169 = arith.constant 0 : i32
        %dma_wait3A_170 = tpu.memref_slice %arg4[%dma_wait3A_168, %dma_wait3A_169] : memref<8192x4096xf32, #tpu.memory_space<hbm>> -> memref<2x4096xf32, #tpu.memory_space<hbm>>
        %dma_wait3A_171 = arith.constant 0 : i32
        %dma_wait3A_172 = arith.constant 0 : i32
        %dma_wait3A_173 = tpu.memref_slice %arg4[%dma_wait3A_171, %dma_wait3A_172] : memref<8192x4096xf32, #tpu.memory_space<hbm>> -> memref<2x4096xf32, #tpu.memory_space<hbm>>
        tpu.wait_dma2 semaphore(%arg16 : memref<!tpu.dma_semaphore, #tpu.memory_space<semaphore_mem>>) src(%arg10 : memref<2x4096xf32, #tpu.memory_space<vmem>>) dst(%dma_wait3A_173 : memref<2x4096xf32, #tpu.memory_space<hbm>>)
      } else {
      }
      %parallel_loop3A = arith.constant 0 : i32
      %parallel_loop3A_59 = arith.constant 256 : i32
      %parallel_loop3A_60 = arith.constant 1 : i32
      scf.for %parallel_loop3A_168 = %parallel_loop3A to %parallel_loop3A_59 step %parallel_loop3A_60  : i32 {
        %parallel_loop3A_169 = arith.constant 16 : i32
        %parallel_loop3A_170 = arith.muli %parallel_loop3A_168, %parallel_loop3A_169 : i32
        %parallel_loop3A_171 = arith.index_cast %parallel_loop3A_170 : i32 to index
        %parallel_loop3A_172 = tpu.vector_load %arg5[%parallel_loop3A_171] {strides = array<i32>} : memref<4096xi32, #tpu.memory_space<vmem>>, vector<16xi32>,
        %parallel_loop3A_173 = tpu.vector_load_idx %arg6[%broadcast_in_dim3A_3, %parallel_loop3A_172] : memref<2x8192xf32, #tpu.memory_space<vmem>>[vector<16xi32>, vector<16xi32>], vector<16xf32>,
        %parallel_loop3A_174 = arith.constant 16 : i32
        %parallel_loop3A_175 = arith.muli %parallel_loop3A_168, %parallel_loop3A_174 : i32
        %parallel_loop3A_176 = arith.constant 0 : i32
        %parallel_loop3A_177 = arith.index_cast %parallel_loop3A_176 : i32 to index
        %parallel_loop3A_178 = arith.index_cast %parallel_loop3A_175 : i32 to index
        %parallel_loop3A_179 = tpu.vector_load %arg10[%parallel_loop3A_177, %parallel_loop3A_178] {strides = array<i32>} : memref<2x4096xf32, #tpu.memory_space<vmem>>, vector<16xf32>,
        tpu.vector_store %arg10[%parallel_loop3A_177, %parallel_loop3A_178], %parallel_loop3A_173 {strides = array<i32>} : memref<2x4096xf32, #tpu.memory_space<vmem>>, vector<16xf32>,
        %parallel_loop3A_180 = tpu.vector_load_idx %arg6[%broadcast_in_dim3A_5, %parallel_loop3A_172] : memref<2x8192xf32, #tpu.memory_space<vmem>>[vector<16xi32>, vector<16xi32>], vector<16xf32>,
        %parallel_loop3A_181 = arith.constant 16 : i32
        %parallel_loop3A_182 = arith.muli %parallel_loop3A_168, %parallel_loop3A_181 : i32
        %parallel_loop3A_183 = arith.constant 1 : i32
        %parallel_loop3A_184 = arith.index_cast %parallel_loop3A_183 : i32 to index
        %parallel_loop3A_185 = arith.index_cast %parallel_loop3A_182 : i32 to index
        %parallel_loop3A_186 = tpu.vector_load %arg10[%parallel_loop3A_184, %parallel_loop3A_185] {strides = array<i32>} : memref<2x4096xf32, #tpu.memory_space<vmem>>, vector<16xf32>,
        tpu.vector_store %arg10[%parallel_loop3A_184, %parallel_loop3A_185], %parallel_loop3A_180 {strides = array<i32>} : memref<2x4096xf32, #tpu.memory_space<vmem>>, vector<16xf32>,
      } {sc.loop_unroll_factor = 4 : i64, sc.parallel_access}
      %mul3A_61 = arith.constant 2 : i32
      %mul3A_62 = arith.muli %add3A_49, %mul3A_61 : i32
      %add3A_63 = arith.addi %mul3A_2, %mul3A_62 : i32
      %dma_start3A_64 = arith.constant 0 : i32
      %dma_start3A_65 = tpu.memref_slice %arg4[%add3A_63, %dma_start3A_64] : memref<8192x4096xf32, #tpu.memory_space<hbm>> -> memref<2x4096xf32, #tpu.memory_space<hbm>>
      %dma_start3A_66 = arith.constant 0 : i32
      %dma_start3A_67 = tpu.memref_slice %arg4[%add3A_63, %dma_start3A_66] : memref<8192x4096xf32, #tpu.memory_space<hbm>> -> memref<2x4096xf32, #tpu.memory_space<hbm>>
      tpu.enqueue_dma source(%arg10 : memref<2x4096xf32, #tpu.memory_space<vmem>>) target(%dma_start3A_67 : memref<2x4096xf32, #tpu.memory_space<hbm>>) target_semaphore(%arg16 : memref<!tpu.dma_semaphore, #tpu.memory_space<semaphore_mem>>)
      %lt3A = arith.constant 31 : i32
      %lt3A_68 = arith.cmpi slt, %scan3A_45, %lt3A : i32
      %convert_element_type3A_69 = arith.extui %lt3A_68 : i1 to i32
      %cond3A_70 = arith.constant 0 : i32
      %cond3A_71 = arith.cmpi ne, %convert_element_type3A_69, %cond3A_70 : i32
      scf.if %cond3A_71 {
        %add3A_168 = arith.constant 4 : i32
        %add3A_169 = arith.addi %add3A_49, %add3A_168 : i32
        %mul3A_170 = arith.constant 2 : i32
        %mul3A_171 = arith.muli %add3A_169, %mul3A_170 : i32
        %add3A_172 = arith.addi %mul3A_2, %mul3A_171 : i32
        %dma_start3A_173 = arith.constant 0 : i32
        %dma_start3A_174 = tpu.memref_slice %arg2[%add3A_172, %dma_start3A_173] : memref<8192x8192xf32, #tpu.memory_space<hbm>> -> memref<2x8192xf32, #tpu.memory_space<hbm>>
        %dma_start3A_175 = arith.constant 0 : i32
        %dma_start3A_176 = tpu.memref_slice %arg2[%add3A_172, %dma_start3A_175] : memref<8192x8192xf32, #tpu.memory_space<hbm>> -> memref<2x8192xf32, #tpu.memory_space<hbm>>
        tpu.enqueue_dma source(%dma_start3A_176 : memref<2x8192xf32, #tpu.memory_space<hbm>>) target(%arg6 : memref<2x8192xf32, #tpu.memory_space<vmem>>) target_semaphore(%arg12 : memref<!tpu.dma_semaphore, #tpu.memory_space<semaphore_mem>>)
      } else {
      }
      %mul3A_72 = arith.constant 4 : i32
      %mul3A_73 = arith.muli %mul3A_72, %scan3A_45 : i32
      %add3A_74 = arith.constant 1 : i32
      %add3A_75 = arith.addi %mul3A_73, %add3A_74 : i32
      %dma_wait3A_76 = arith.constant 0 : i32
      %dma_wait3A_77 = arith.constant 0 : i32
      %dma_wait3A_78 = tpu.memref_slice %arg2[%dma_wait3A_76, %dma_wait3A_77] : memref<8192x8192xf32, #tpu.memory_space<hbm>> -> memref<2x8192xf32, #tpu.memory_space<hbm>>
      %dma_wait3A_79 = arith.constant 0 : i32
      %dma_wait3A_80 = arith.constant 0 : i32
      %dma_wait3A_81 = tpu.memref_slice %arg2[%dma_wait3A_79, %dma_wait3A_80] : memref<8192x8192xf32, #tpu.memory_space<hbm>> -> memref<2x8192xf32, #tpu.memory_space<hbm>>
      tpu.wait_dma2 semaphore(%arg13 : memref<!tpu.dma_semaphore, #tpu.memory_space<semaphore_mem>>) src(%dma_wait3A_81 : memref<2x8192xf32, #tpu.memory_space<hbm>>) dst(%arg7 : memref<2x8192xf32, #tpu.memory_space<vmem>>)
      %gt3A_82 = arith.constant 0 : i32
      %gt3A_83 = arith.cmpi sgt, %scan3A_45, %gt3A_82 : i32
      %or3A_84 = arith.constant false
      %or3A_85 = arith.ori %gt3A_83, %or3A_84 : i1
      %convert_element_type3A_86 = arith.extui %or3A_85 : i1 to i32
      %cond3A_87 = arith.constant 0 : i32
      %cond3A_88 = arith.cmpi ne, %convert_element_type3A_86, %cond3A_87 : i32
      scf.if %cond3A_88 {
        %dma_wait3A_168 = arith.constant 0 : i32
        %dma_wait3A_169 = arith.constant 0 : i32
        %dma_wait3A_170 = tpu.memref_slice %arg4[%dma_wait3A_168, %dma_wait3A_169] : memref<8192x4096xf32, #tpu.memory_space<hbm>> -> memref<2x4096xf32, #tpu.memory_space<hbm>>
        %dma_wait3A_171 = arith.constant 0 : i32
        %dma_wait3A_172 = arith.constant 0 : i32
        %dma_wait3A_173 = tpu.memref_slice %arg4[%dma_wait3A_171, %dma_wait3A_172] : memref<8192x4096xf32, #tpu.memory_space<hbm>> -> memref<2x4096xf32, #tpu.memory_space<hbm>>
        tpu.wait_dma2 semaphore(%arg17 : memref<!tpu.dma_semaphore, #tpu.memory_space<semaphore_mem>>) src(%arg11 : memref<2x4096xf32, #tpu.memory_space<vmem>>) dst(%dma_wait3A_173 : memref<2x4096xf32, #tpu.memory_space<hbm>>)
      } else {
      }
      %parallel_loop3A_89 = arith.constant 0 : i32
      %parallel_loop3A_90 = arith.constant 256 : i32
      %parallel_loop3A_91 = arith.constant 1 : i32
      scf.for %parallel_loop3A_168 = %parallel_loop3A_89 to %parallel_loop3A_90 step %parallel_loop3A_91  : i32 {
        %parallel_loop3A_169 = arith.constant 16 : i32
        %parallel_loop3A_170 = arith.muli %parallel_loop3A_168, %parallel_loop3A_169 : i32
        %parallel_loop3A_171 = arith.index_cast %parallel_loop3A_170 : i32 to index
        %parallel_loop3A_172 = tpu.vector_load %arg5[%parallel_loop3A_171] {strides = array<i32>} : memref<4096xi32, #tpu.memory_space<vmem>>, vector<16xi32>,
        %parallel_loop3A_173 = tpu.vector_load_idx %arg7[%broadcast_in_dim3A_3, %parallel_loop3A_172] : memref<2x8192xf32, #tpu.memory_space<vmem>>[vector<16xi32>, vector<16xi32>], vector<16xf32>,
        %parallel_loop3A_174 = arith.constant 16 : i32
        %parallel_loop3A_175 = arith.muli %parallel_loop3A_168, %parallel_loop3A_174 : i32
        %parallel_loop3A_176 = arith.constant 0 : i32
        %parallel_loop3A_177 = arith.index_cast %parallel_loop3A_176 : i32 to index
        %parallel_loop3A_178 = arith.index_cast %parallel_loop3A_175 : i32 to index
        %parallel_loop3A_179 = tpu.vector_load %arg11[%parallel_loop3A_177, %parallel_loop3A_178] {strides = array<i32>} : memref<2x4096xf32, #tpu.memory_space<vmem>>, vector<16xf32>,
        tpu.vector_store %arg11[%parallel_loop3A_177, %parallel_loop3A_178], %parallel_loop3A_173 {strides = array<i32>} : memref<2x4096xf32, #tpu.memory_space<vmem>>, vector<16xf32>,
        %parallel_loop3A_180 = tpu.vector_load_idx %arg7[%broadcast_in_dim3A_5, %parallel_loop3A_172] : memref<2x8192xf32, #tpu.memory_space<vmem>>[vector<16xi32>, vector<16xi32>], vector<16xf32>,
        %parallel_loop3A_181 = arith.constant 16 : i32
        %parallel_loop3A_182 = arith.muli %parallel_loop3A_168, %parallel_loop3A_181 : i32
        %parallel_loop3A_183 = arith.constant 1 : i32
        %parallel_loop3A_184 = arith.index_cast %parallel_loop3A_183 : i32 to index
        %parallel_loop3A_185 = arith.index_cast %parallel_loop3A_182 : i32 to index
        %parallel_loop3A_186 = tpu.vector_load %arg11[%parallel_loop3A_184, %parallel_loop3A_185] {strides = array<i32>} : memref<2x4096xf32, #tpu.memory_space<vmem>>, vector<16xf32>,
        tpu.vector_store %arg11[%parallel_loop3A_184, %parallel_loop3A_185], %parallel_loop3A_180 {strides = array<i32>} : memref<2x4096xf32, #tpu.memory_space<vmem>>, vector<16xf32>,
      } {sc.loop_unroll_factor = 4 : i64, sc.parallel_access}
      %mul3A_92 = arith.constant 2 : i32
      %mul3A_93 = arith.muli %add3A_75, %mul3A_92 : i32
      %add3A_94 = arith.addi %mul3A_2, %mul3A_93 : i32
      %dma_start3A_95 = arith.constant 0 : i32
      %dma_start3A_96 = tpu.memref_slice %arg4[%add3A_94, %dma_start3A_95] : memref<8192x4096xf32, #tpu.memory_space<hbm>> -> memref<2x4096xf32, #tpu.memory_space<hbm>>
      %dma_start3A_97 = arith.constant 0 : i32
      %dma_start3A_98 = tpu.memref_slice %arg4[%add3A_94, %dma_start3A_97] : memref<8192x4096xf32, #tpu.memory_space<hbm>> -> memref<2x4096xf32, #tpu.memory_space<hbm>>
      tpu.enqueue_dma source(%arg11 : memref<2x4096xf32, #tpu.memory_space<vmem>>) target(%dma_start3A_98 : memref<2x4096xf32, #tpu.memory_space<hbm>>) target_semaphore(%arg17 : memref<!tpu.dma_semaphore, #tpu.memory_space<semaphore_mem>>)
      %lt3A_99 = arith.constant 31 : i32
      %lt3A_100 = arith.cmpi slt, %scan3A_45, %lt3A_99 : i32
      %convert_element_type3A_101 = arith.extui %lt3A_100 : i1 to i32
      %cond3A_102 = arith.constant 0 : i32
      %cond3A_103 = arith.cmpi ne, %convert_element_type3A_101, %cond3A_102 : i32
      scf.if %cond3A_103 {
        %add3A_168 = arith.constant 4 : i32
        %add3A_169 = arith.addi %add3A_75, %add3A_168 : i32
        %mul3A_170 = arith.constant 2 : i32
        %mul3A_171 = arith.muli %add3A_169, %mul3A_170 : i32
        %add3A_172 = arith.addi %mul3A_2, %mul3A_171 : i32
        %dma_start3A_173 = arith.constant 0 : i32
        %dma_start3A_174 = tpu.memref_slice %arg2[%add3A_172, %dma_start3A_173] : memref<8192x8192xf32, #tpu.memory_space<hbm>> -> memref<2x8192xf32, #tpu.memory_space<hbm>>
        %dma_start3A_175 = arith.constant 0 : i32
        %dma_start3A_176 = tpu.memref_slice %arg2[%add3A_172, %dma_start3A_175] : memref<8192x8192xf32, #tpu.memory_space<hbm>> -> memref<2x8192xf32, #tpu.memory_space<hbm>>
        tpu.enqueue_dma source(%dma_start3A_176 : memref<2x8192xf32, #tpu.memory_space<hbm>>) target(%arg7 : memref<2x8192xf32, #tpu.memory_space<vmem>>) target_semaphore(%arg13 : memref<!tpu.dma_semaphore, #tpu.memory_space<semaphore_mem>>)
      } else {
      }
      %mul3A_104 = arith.constant 4 : i32
      %mul3A_105 = arith.muli %mul3A_104, %scan3A_45 : i32
      %add3A_106 = arith.constant 2 : i32
      %add3A_107 = arith.addi %mul3A_105, %add3A_106 : i32
      %dma_wait3A_108 = arith.constant 0 : i32
      %dma_wait3A_109 = arith.constant 0 : i32
      %dma_wait3A_110 = tpu.memref_slice %arg2[%dma_wait3A_108, %dma_wait3A_109] : memref<8192x8192xf32, #tpu.memory_space<hbm>> -> memref<2x8192xf32, #tpu.memory_space<hbm>>
      %dma_wait3A_111 = arith.constant 0 : i32
      %dma_wait3A_112 = arith.constant 0 : i32
      %dma_wait3A_113 = tpu.memref_slice %arg2[%dma_wait3A_111, %dma_wait3A_112] : memref<8192x8192xf32, #tpu.memory_space<hbm>> -> memref<2x8192xf32, #tpu.memory_space<hbm>>
      tpu.wait_dma2 semaphore(%arg14 : memref<!tpu.dma_semaphore, #tpu.memory_space<semaphore_mem>>) src(%dma_wait3A_113 : memref<2x8192xf32, #tpu.memory_space<hbm>>) dst(%arg8 : memref<2x8192xf32, #tpu.memory_space<vmem>>)
      %gt3A_114 = arith.constant 0 : i32
      %gt3A_115 = arith.cmpi sgt, %scan3A_45, %gt3A_114 : i32
      %or3A_116 = arith.constant true
      %or3A_117 = arith.ori %gt3A_115, %or3A_116 : i1
      %convert_element_type3A_118 = arith.extui %or3A_117 : i1 to i32
      %cond3A_119 = arith.constant 0 : i32
      %cond3A_120 = arith.cmpi ne, %convert_element_type3A_118, %cond3A_119 : i32
      scf.if %cond3A_120 {
        %dma_wait3A_168 = arith.constant 0 : i32
        %dma_wait3A_169 = arith.constant 0 : i32
        %dma_wait3A_170 = tpu.memref_slice %arg4[%dma_wait3A_168, %dma_wait3A_169] : memref<8192x4096xf32, #tpu.memory_space<hbm>> -> memref<2x4096xf32, #tpu.memory_space<hbm>>
        %dma_wait3A_171 = arith.constant 0 : i32
        %dma_wait3A_172 = arith.constant 0 : i32
        %dma_wait3A_173 = tpu.memref_slice %arg4[%dma_wait3A_171, %dma_wait3A_172] : memref<8192x4096xf32, #tpu.memory_space<hbm>> -> memref<2x4096xf32, #tpu.memory_space<hbm>>
        tpu.wait_dma2 semaphore(%arg16 : memref<!tpu.dma_semaphore, #tpu.memory_space<semaphore_mem>>) src(%arg10 : memref<2x4096xf32, #tpu.memory_space<vmem>>) dst(%dma_wait3A_173 : memref<2x4096xf32, #tpu.memory_space<hbm>>)
      } else {
      }
      %parallel_loop3A_121 = arith.constant 0 : i32
      %parallel_loop3A_122 = arith.constant 256 : i32
      %parallel_loop3A_123 = arith.constant 1 : i32
      scf.for %parallel_loop3A_168 = %parallel_loop3A_121 to %parallel_loop3A_122 step %parallel_loop3A_123  : i32 {
        %parallel_loop3A_169 = arith.constant 16 : i32
        %parallel_loop3A_170 = arith.muli %parallel_loop3A_168, %parallel_loop3A_169 : i32
        %parallel_loop3A_171 = arith.index_cast %parallel_loop3A_170 : i32 to index
        %parallel_loop3A_172 = tpu.vector_load %arg5[%parallel_loop3A_171] {strides = array<i32>} : memref<4096xi32, #tpu.memory_space<vmem>>, vector<16xi32>,
        %parallel_loop3A_173 = tpu.vector_load_idx %arg8[%broadcast_in_dim3A_3, %parallel_loop3A_172] : memref<2x8192xf32, #tpu.memory_space<vmem>>[vector<16xi32>, vector<16xi32>], vector<16xf32>,
        %parallel_loop3A_174 = arith.constant 16 : i32
        %parallel_loop3A_175 = arith.muli %parallel_loop3A_168, %parallel_loop3A_174 : i32
        %parallel_loop3A_176 = arith.constant 0 : i32
        %parallel_loop3A_177 = arith.index_cast %parallel_loop3A_176 : i32 to index
        %parallel_loop3A_178 = arith.index_cast %parallel_loop3A_175 : i32 to index
        %parallel_loop3A_179 = tpu.vector_load %arg10[%parallel_loop3A_177, %parallel_loop3A_178] {strides = array<i32>} : memref<2x4096xf32, #tpu.memory_space<vmem>>, vector<16xf32>,
        tpu.vector_store %arg10[%parallel_loop3A_177, %parallel_loop3A_178], %parallel_loop3A_173 {strides = array<i32>} : memref<2x4096xf32, #tpu.memory_space<vmem>>, vector<16xf32>,
        %parallel_loop3A_180 = tpu.vector_load_idx %arg8[%broadcast_in_dim3A_5, %parallel_loop3A_172] : memref<2x8192xf32, #tpu.memory_space<vmem>>[vector<16xi32>, vector<16xi32>], vector<16xf32>,
        %parallel_loop3A_181 = arith.constant 16 : i32
        %parallel_loop3A_182 = arith.muli %parallel_loop3A_168, %parallel_loop3A_181 : i32
        %parallel_loop3A_183 = arith.constant 1 : i32
        %parallel_loop3A_184 = arith.index_cast %parallel_loop3A_183 : i32 to index
        %parallel_loop3A_185 = arith.index_cast %parallel_loop3A_182 : i32 to index
        %parallel_loop3A_186 = tpu.vector_load %arg10[%parallel_loop3A_184, %parallel_loop3A_185] {strides = array<i32>} : memref<2x4096xf32, #tpu.memory_space<vmem>>, vector<16xf32>,
        tpu.vector_store %arg10[%parallel_loop3A_184, %parallel_loop3A_185], %parallel_loop3A_180 {strides = array<i32>} : memref<2x4096xf32, #tpu.memory_space<vmem>>, vector<16xf32>,
      } {sc.loop_unroll_factor = 4 : i64, sc.parallel_access}
      %mul3A_124 = arith.constant 2 : i32
      %mul3A_125 = arith.muli %add3A_107, %mul3A_124 : i32
      %add3A_126 = arith.addi %mul3A_2, %mul3A_125 : i32
      %dma_start3A_127 = arith.constant 0 : i32
      %dma_start3A_128 = tpu.memref_slice %arg4[%add3A_126, %dma_start3A_127] : memref<8192x4096xf32, #tpu.memory_space<hbm>> -> memref<2x4096xf32, #tpu.memory_space<hbm>>
      %dma_start3A_129 = arith.constant 0 : i32
      %dma_start3A_130 = tpu.memref_slice %arg4[%add3A_126, %dma_start3A_129] : memref<8192x4096xf32, #tpu.memory_space<hbm>> -> memref<2x4096xf32, #tpu.memory_space<hbm>>
      tpu.enqueue_dma source(%arg10 : memref<2x4096xf32, #tpu.memory_space<vmem>>) target(%dma_start3A_130 : memref<2x4096xf32, #tpu.memory_space<hbm>>) target_semaphore(%arg16 : memref<!tpu.dma_semaphore, #tpu.memory_space<semaphore_mem>>)
      %lt3A_131 = arith.constant 31 : i32
      %lt3A_132 = arith.cmpi slt, %scan3A_45, %lt3A_131 : i32
      %convert_element_type3A_133 = arith.extui %lt3A_132 : i1 to i32
      %cond3A_134 = arith.constant 0 : i32
      %cond3A_135 = arith.cmpi ne, %convert_element_type3A_133, %cond3A_134 : i32
      scf.if %cond3A_135 {
        %add3A_168 = arith.constant 4 : i32
        %add3A_169 = arith.addi %add3A_107, %add3A_168 : i32
        %mul3A_170 = arith.constant 2 : i32
        %mul3A_171 = arith.muli %add3A_169, %mul3A_170 : i32
        %add3A_172 = arith.addi %mul3A_2, %mul3A_171 : i32
        %dma_start3A_173 = arith.constant 0 : i32
        %dma_start3A_174 = tpu.memref_slice %arg2[%add3A_172, %dma_start3A_173] : memref<8192x8192xf32, #tpu.memory_space<hbm>> -> memref<2x8192xf32, #tpu.memory_space<hbm>>
        %dma_start3A_175 = arith.constant 0 : i32
        %dma_start3A_176 = tpu.memref_slice %arg2[%add3A_172, %dma_start3A_175] : memref<8192x8192xf32, #tpu.memory_space<hbm>> -> memref<2x8192xf32, #tpu.memory_space<hbm>>
        tpu.enqueue_dma source(%dma_start3A_176 : memref<2x8192xf32, #tpu.memory_space<hbm>>) target(%arg8 : memref<2x8192xf32, #tpu.memory_space<vmem>>) target_semaphore(%arg14 : memref<!tpu.dma_semaphore, #tpu.memory_space<semaphore_mem>>)
      } else {
      }
      %mul3A_136 = arith.constant 4 : i32
      %mul3A_137 = arith.muli %mul3A_136, %scan3A_45 : i32
      %add3A_138 = arith.constant 3 : i32
      %add3A_139 = arith.addi %mul3A_137, %add3A_138 : i32
      %dma_wait3A_140 = arith.constant 0 : i32
      %dma_wait3A_141 = arith.constant 0 : i32
      %dma_wait3A_142 = tpu.memref_slice %arg2[%dma_wait3A_140, %dma_wait3A_141] : memref<8192x8192xf32, #tpu.memory_space<hbm>> -> memref<2x8192xf32, #tpu.memory_space<hbm>>
      %dma_wait3A_143 = arith.constant 0 : i32
      %dma_wait3A_144 = arith.constant 0 : i32
      %dma_wait3A_145 = tpu.memref_slice %arg2[%dma_wait3A_143, %dma_wait3A_144] : memref<8192x8192xf32, #tpu.memory_space<hbm>> -> memref<2x8192xf32, #tpu.memory_space<hbm>>
      tpu.wait_dma2 semaphore(%arg15 : memref<!tpu.dma_semaphore, #tpu.memory_space<semaphore_mem>>) src(%dma_wait3A_145 : memref<2x8192xf32, #tpu.memory_space<hbm>>) dst(%arg9 : memref<2x8192xf32, #tpu.memory_space<vmem>>)
      %gt3A_146 = arith.constant 0 : i32
      %gt3A_147 = arith.cmpi sgt, %scan3A_45, %gt3A_146 : i32
      %or3A_148 = arith.constant true
      %or3A_149 = arith.ori %gt3A_147, %or3A_148 : i1
      %convert_element_type3A_150 = arith.extui %or3A_149 : i1 to i32
      %cond3A_151 = arith.constant 0 : i32
      %cond3A_152 = arith.cmpi ne, %convert_element_type3A_150, %cond3A_151 : i32
      scf.if %cond3A_152 {
        %dma_wait3A_168 = arith.constant 0 : i32
        %dma_wait3A_169 = arith.constant 0 : i32
        %dma_wait3A_170 = tpu.memref_slice %arg4[%dma_wait3A_168, %dma_wait3A_169] : memref<8192x4096xf32, #tpu.memory_space<hbm>> -> memref<2x4096xf32, #tpu.memory_space<hbm>>
        %dma_wait3A_171 = arith.constant 0 : i32
        %dma_wait3A_172 = arith.constant 0 : i32
        %dma_wait3A_173 = tpu.memref_slice %arg4[%dma_wait3A_171, %dma_wait3A_172] : memref<8192x4096xf32, #tpu.memory_space<hbm>> -> memref<2x4096xf32, #tpu.memory_space<hbm>>
        tpu.wait_dma2 semaphore(%arg17 : memref<!tpu.dma_semaphore, #tpu.memory_space<semaphore_mem>>) src(%arg11 : memref<2x4096xf32, #tpu.memory_space<vmem>>) dst(%dma_wait3A_173 : memref<2x4096xf32, #tpu.memory_space<hbm>>)
      } else {
      }
      %parallel_loop3A_153 = arith.constant 0 : i32
      %parallel_loop3A_154 = arith.constant 256 : i32
      %parallel_loop3A_155 = arith.constant 1 : i32
      scf.for %parallel_loop3A_168 = %parallel_loop3A_153 to %parallel_loop3A_154 step %parallel_loop3A_155  : i32 {
        %parallel_loop3A_169 = arith.constant 16 : i32
        %parallel_loop3A_170 = arith.muli %parallel_loop3A_168, %parallel_loop3A_169 : i32
        %parallel_loop3A_171 = arith.index_cast %parallel_loop3A_170 : i32 to index
        %parallel_loop3A_172 = tpu.vector_load %arg5[%parallel_loop3A_171] {strides = array<i32>} : memref<4096xi32, #tpu.memory_space<vmem>>, vector<16xi32>,
        %parallel_loop3A_173 = tpu.vector_load_idx %arg9[%broadcast_in_dim3A_3, %parallel_loop3A_172] : memref<2x8192xf32, #tpu.memory_space<vmem>>[vector<16xi32>, vector<16xi32>], vector<16xf32>,
        %parallel_loop3A_174 = arith.constant 16 : i32
        %parallel_loop3A_175 = arith.muli %parallel_loop3A_168, %parallel_loop3A_174 : i32
        %parallel_loop3A_176 = arith.constant 0 : i32
        %parallel_loop3A_177 = arith.index_cast %parallel_loop3A_176 : i32 to index
        %parallel_loop3A_178 = arith.index_cast %parallel_loop3A_175 : i32 to index
        %parallel_loop3A_179 = tpu.vector_load %arg11[%parallel_loop3A_177, %parallel_loop3A_178] {strides = array<i32>} : memref<2x4096xf32, #tpu.memory_space<vmem>>, vector<16xf32>,
        tpu.vector_store %arg11[%parallel_loop3A_177, %parallel_loop3A_178], %parallel_loop3A_173 {strides = array<i32>} : memref<2x4096xf32, #tpu.memory_space<vmem>>, vector<16xf32>,
        %parallel_loop3A_180 = tpu.vector_load_idx %arg9[%broadcast_in_dim3A_5, %parallel_loop3A_172] : memref<2x8192xf32, #tpu.memory_space<vmem>>[vector<16xi32>, vector<16xi32>], vector<16xf32>,
        %parallel_loop3A_181 = arith.constant 16 : i32
        %parallel_loop3A_182 = arith.muli %parallel_loop3A_168, %parallel_loop3A_181 : i32
        %parallel_loop3A_183 = arith.constant 1 : i32
        %parallel_loop3A_184 = arith.index_cast %parallel_loop3A_183 : i32 to index
        %parallel_loop3A_185 = arith.index_cast %parallel_loop3A_182 : i32 to index
        %parallel_loop3A_186 = tpu.vector_load %arg11[%parallel_loop3A_184, %parallel_loop3A_185] {strides = array<i32>} : memref<2x4096xf32, #tpu.memory_space<vmem>>, vector<16xf32>,
        tpu.vector_store %arg11[%parallel_loop3A_184, %parallel_loop3A_185], %parallel_loop3A_180 {strides = array<i32>} : memref<2x4096xf32, #tpu.memory_space<vmem>>, vector<16xf32>,
      } {sc.loop_unroll_factor = 4 : i64, sc.parallel_access}
      %mul3A_156 = arith.constant 2 : i32
      %mul3A_157 = arith.muli %add3A_139, %mul3A_156 : i32
      %add3A_158 = arith.addi %mul3A_2, %mul3A_157 : i32
      %dma_start3A_159 = arith.constant 0 : i32
      %dma_start3A_160 = tpu.memref_slice %arg4[%add3A_158, %dma_start3A_159] : memref<8192x4096xf32, #tpu.memory_space<hbm>> -> memref<2x4096xf32, #tpu.memory_space<hbm>>
      %dma_start3A_161 = arith.constant 0 : i32
      %dma_start3A_162 = tpu.memref_slice %arg4[%add3A_158, %dma_start3A_161] : memref<8192x4096xf32, #tpu.memory_space<hbm>> -> memref<2x4096xf32, #tpu.memory_space<hbm>>
      tpu.enqueue_dma source(%arg11 : memref<2x4096xf32, #tpu.memory_space<vmem>>) target(%dma_start3A_162 : memref<2x4096xf32, #tpu.memory_space<hbm>>) target_semaphore(%arg17 : memref<!tpu.dma_semaphore, #tpu.memory_space<semaphore_mem>>)
      %lt3A_163 = arith.constant 31 : i32
      %lt3A_164 = arith.cmpi slt, %scan3A_45, %lt3A_163 : i32
      %convert_element_type3A_165 = arith.extui %lt3A_164 : i1 to i32
      %cond3A_166 = arith.constant 0 : i32
      %cond3A_167 = arith.cmpi ne, %convert_element_type3A_165, %cond3A_166 : i32
      scf.if %cond3A_167 {
        %add3A_168 = arith.constant 4 : i32
        %add3A_169 = arith.addi %add3A_139, %add3A_168 : i32
        %mul3A_170 = arith.constant 2 : i32
        %mul3A_171 = arith.muli %add3A_169, %mul3A_170 : i32
        %add3A_172 = arith.addi %mul3A_2, %mul3A_171 : i32
        %dma_start3A_173 = arith.constant 0 : i32
        %dma_start3A_174 = tpu.memref_slice %arg2[%add3A_172, %dma_start3A_173] : memref<8192x8192xf32, #tpu.memory_space<hbm>> -> memref<2x8192xf32, #tpu.memory_space<hbm>>
        %dma_start3A_175 = arith.constant 0 : i32
        %dma_start3A_176 = tpu.memref_slice %arg2[%add3A_172, %dma_start3A_175] : memref<8192x8192xf32, #tpu.memory_space<hbm>> -> memref<2x8192xf32, #tpu.memory_space<hbm>>
        tpu.enqueue_dma source(%dma_start3A_176 : memref<2x8192xf32, #tpu.memory_space<hbm>>) target(%arg9 : memref<2x8192xf32, #tpu.memory_space<vmem>>) target_semaphore(%arg15 : memref<!tpu.dma_semaphore, #tpu.memory_space<semaphore_mem>>)
      } else {
      }
    }
    %scan3A_33 = arith.constant 32 : i32
    %dma_wait3A = arith.constant 0 : i32
    %dma_wait3A_34 = arith.constant 0 : i32
    %dma_wait3A_35 = tpu.memref_slice %arg4[%dma_wait3A, %dma_wait3A_34] : memref<8192x4096xf32, #tpu.memory_space<hbm>> -> memref<2x4096xf32, #tpu.memory_space<hbm>>
    %dma_wait3A_36 = arith.constant 0 : i32
    %dma_wait3A_37 = arith.constant 0 : i32
    %dma_wait3A_38 = tpu.memref_slice %arg4[%dma_wait3A_36, %dma_wait3A_37] : memref<8192x4096xf32, #tpu.memory_space<hbm>> -> memref<2x4096xf32, #tpu.memory_space<hbm>>
    tpu.wait_dma2 semaphore(%arg16 : memref<!tpu.dma_semaphore, #tpu.memory_space<semaphore_mem>>) src(%arg10 : memref<2x4096xf32, #tpu.memory_space<vmem>>) dst(%dma_wait3A_38 : memref<2x4096xf32, #tpu.memory_space<hbm>>)
    %dma_wait3A_39 = arith.constant 0 : i32
    %dma_wait3A_40 = arith.constant 0 : i32
    %dma_wait3A_41 = tpu.memref_slice %arg4[%dma_wait3A_39, %dma_wait3A_40] : memref<8192x4096xf32, #tpu.memory_space<hbm>> -> memref<2x4096xf32, #tpu.memory_space<hbm>>
    %dma_wait3A_42 = arith.constant 0 : i32
    %dma_wait3A_43 = arith.constant 0 : i32
    %dma_wait3A_44 = tpu.memref_slice %arg4[%dma_wait3A_42, %dma_wait3A_43] : memref<8192x4096xf32, #tpu.memory_space<hbm>> -> memref<2x4096xf32, #tpu.memory_space<hbm>>
    tpu.wait_dma2 semaphore(%arg17 : memref<!tpu.dma_semaphore, #tpu.memory_space<semaphore_mem>>) src(%arg11 : memref<2x4096xf32, #tpu.memory_space<vmem>>) dst(%dma_wait3A_44 : memref<2x4096xf32, #tpu.memory_space<hbm>>)
    return
  }
}

</mosaic_0001>

<sc_bundles>
// kernel: kernel.3.cloned.1.call-start
scs
__scs_entry_jumppad:
0x0: {  	(pc) =	sbr.rel $0x88, $3  }
0x1: {  	(tag) =	ssettag $0x0;
	lr =	simm.s32 $0x1  }
0x2: {  	[smem:$0x3F9F] =	sst lr;
	_ =	strace $0xD0000000  }
0x3: {  	_ = 	snop  }
0x4: {  	_ = 	snop  }
0x5: {  	_ = 	snop  }
0x6: {  	_ = 	snop  }
0x7: {  	_ = 	snop  }
__scs_overlays_trampoline_lowered:
0x8: {  	[smem:$0x3FAE] =	sst s0  }
0x9: {  	[smem:$0x3FAF] =	sst s1  }
0xa: {  	[smem:$0x3FB0] =	sst s2  }
0xb: {  	[smem:$0x3FB1] =	sst s3  }
0xc: {  	[smem:$0x3FB2] =	sst s4  }
0xd: {  	[smem:$0x3FB3] =	sst s5  }
0xe: {  	[smem:$0x3FB4] =	sst s6  }
0xf: {  	[smem:$0x3FB5] =	sst s7  }
0x10: {  	[smem:$0x3FB6] =	sst s8  }
0x11: {  	[smem:$0x3FB7] =	sst s9;
	s0 =	simm.s32 @!p0 $0x0  }
0x12: {  	s1 =	sld [smem:$0x3F9D];
	s0 =	simm.s32 @p0 $0x1  }
0x13: {  	[smem:$0x3FB8] =	sst s0;
	s0 =	simm.s32 @!p1 $0x0  }
0x14: {  	s2 =	sld [smem:$0x3F9C];
	s0 =	simm.s32 @p1 $0x1  }
0x15: {  	[smem:$0x3FB9] =	sst s0;
	s0 =	simm.s32 @!p2 $0x0  }
0x16: {  	s3 =	sld [smem:$0x3FDB];
	s0 =	simm.s32 @p2 $0x1  }
0x17: {  	s4 =	simm.s32 $0x1BF5;
	[smem:$0x3FBB] =	sst s0  }
0x18: {  	s0 =	sld [smem:$0x3F9E];
	_ =	swait.ge [sflag:s4], $0x0  }
0x19: {  	s7 =	sld [smem:$0x3F9F]  }
0x1a: {  	s8 =	sadd.s32 $0xFFFFE003, lr  }
0x1b: {  	s9 =	sadd.s32 $0xFFFFFEF7, lr;
	s5 =	simm.s32 $0xFFFFFFFF;
	p2 =	slt.u32 s8, $0xFFFFF086  }
0x1c: {  	p1 =	slt.u32 s9, $0xF7A;
	s5 =	simm.s32 @!p2 $0x0  }
0x1d: {  	s5 =	simm.s32 @p1 $0x1;
	p0 =	seq.s32 s7, s2  }
0x1e: {  	s7 =	smul.u32 @!p0 $0xF7A, s2;
	p2 =	seq.s32 @!p0 s5, $0x0  }
0x1f: {  	s9 =	smul.u32 $0xF7A, s1;
	s8 =	simm.s32 @!p0 $0x1BF5;
	p2 =	por !p2, p0  }
0x20: {  	[sflag:s8] =	ssyncset.s32 @!p0 $0xFFFFF086;
	s6 =	sadd.s32 @!p0 s3, s7;
	s7 =	simm.s32 @!p0 $0x108  }
0x21: {  	s3 =	sadd.s32 s3, s9;
	s6 =	sadd.s32 @!p0 $0x88, s6;
	s7 =	simm.s32 @p2 $0x1082  }
0x22: {  	[simem:s7], [sflag:s8] =	dma.local @!p0 [hbm:s6], $0xF7A  }
0x23: {  	s9 =	sor.u32 $0xD0000000, s2;
	s6 =	simm.s32 $0x108;
	_ =	swait.ge @!p0 [sflag:s8], $0x0  }
0x24: {  	s3 =	sadd.s32 $0x88, s3;
	s6 =	simm.s32 @!p1 $0x1082;
	[sflag:s4] =	ssyncset.s32 $0xFFFFF086  }
0x25: {  	[simem:s6], [sflag:s4] =	dma.local [hbm:s3], $0xF7A  }
0x26: {  	[smem:$0x3F9F] =	sst s1;
	(tag) =	ssettag s2;
	_ =	strace s9  }
0x27: {  	s1 =	sld [smem:$0x3FAF]  }
0x28: {  	s2 =	sld [smem:$0x3FB0]  }
0x29: {  	s4 =	sld [smem:$0x3FB2]  }
0x2a: {  	p0 =	seq.s32 s5, $0x0;
	s5 =	sld [smem:$0x3FB3]  }
0x2b: {  	s6 =	sld [smem:$0x3FB4]  }
0x2c: {  	s7 =	sld [smem:$0x3FB5]  }
0x2d: {  	s3 =	simm.s32 $0x108;
	s8 =	sld [smem:$0x3FB6]  }
0x2e: {  	s3 =	simm.s32 @!p0 $0x1082;
	s9 =	sld [smem:$0x3FB7]  }
0x2f: {  	lr =	sadd.s32 s0, s3;
	s0 =	sld [smem:$0x3FAE]  }
0x30: {  	s3 =	sld [smem:$0x3FB1]  }
0x31: {  	[smem:$0x3FBA] =	sst s10  }
0x32: {  	s10 =	sld [smem:$0x3FB8];
	_ =	sdelay $0x3  }
0x33: {  	p0 =	seq.s32 s10, $0x1;
	s10 =	sld [smem:$0x3FBA];
	_ =	sdelay $0x3  }
0x34: {  	[smem:$0x3FBA] =	sst s10  }
0x35: {  	s10 =	sld [smem:$0x3FB9];
	_ =	sdelay $0x3  }
0x36: {  	p1 =	seq.s32 s10, $0x1;
	s10 =	sld [smem:$0x3FBA];
	_ =	sdelay $0x3  }
0x37: {  	[smem:$0x3FBA] =	sst s10  }
0x38: {  	s10 =	sld [smem:$0x3FBB]  }
0x39: {  	_ = 	snop;
	(pc) =	sbr.ind lr, $3  }
0x3a: {  	_ = 	snop  }
0x3b: {  	_ = 	snop  }
0x3c: {  	p2 =	seq.s32 s10, $0x1;
	s10 =	sld [smem:$0x3FBA]  }
0x3d: {  	_ =	shalt  }
0x3e: {  	_ =	shalt  }
0x3f: {  	_ =	shalt  }
0x40: {  	_ =	shalt  }
0x41: {  	_ =	shalt  }
0x42: {  	_ =	shalt  }
0x43: {  	_ =	shalt  }
0x44: {  	_ =	shalt  }
0x45: {  	_ =	shalt  }
0x46: {  	_ =	shalt  }
0x47: {  	_ =	shalt  }
0x48: {  	_ =	shalt  }
0x49: {  	_ =	shalt  }
0x4a: {  	_ =	shalt  }
0x4b: {  	_ =	shalt  }
0x4c: {  	_ =	shalt  }
0x4d: {  	_ =	shalt  }
0x4e: {  	_ =	shalt  }
0x4f: {  	_ =	shalt  }
0x50: {  	_ =	shalt  }
0x51: {  	_ =	shalt  }
0x52: {  	_ =	shalt  }
0x53: {  	_ =	shalt  }
0x54: {  	_ =	shalt  }
0x55: {  	_ =	shalt  }
0x56: {  	_ =	shalt  }
0x57: {  	_ =	shalt  }
0x58: {  	_ =	shalt  }
0x59: {  	_ =	shalt  }
0x5a: {  	_ =	shalt  }
0x5b: {  	_ =	shalt  }
0x5c: {  	_ =	shalt  }
0x5d: {  	_ =	shalt  }
0x5e: {  	_ =	shalt  }
0x5f: {  	_ =	shalt  }
0x60: {  	_ =	shalt  }
0x61: {  	_ =	shalt  }
0x62: {  	_ =	shalt  }
0x63: {  	_ =	shalt  }
0x64: {  	_ =	shalt  }
0x65: {  	_ =	shalt  }
0x66: {  	_ =	shalt  }
0x67: {  	_ =	shalt  }
0x68: {  	_ =	shalt  }
0x69: {  	_ =	shalt  }
0x6a: {  	_ =	shalt  }
0x6b: {  	_ =	shalt  }
0x6c: {  	_ =	shalt  }
0x6d: {  	_ =	shalt  }
0x6e: {  	_ =	shalt  }
0x6f: {  	_ =	shalt  }
0x70: {  	_ =	shalt  }
0x71: {  	_ =	shalt  }
0x72: {  	_ =	shalt  }
0x73: {  	_ =	shalt  }
0x74: {  	_ =	shalt  }
0x75: {  	_ =	shalt  }
0x76: {  	_ =	shalt  }
0x77: {  	_ =	shalt  }
0x78: {  	_ =	shalt  }
0x79: {  	_ =	shalt  }
0x7a: {  	_ =	shalt  }
0x7b: {  	_ =	shalt  }
0x7c: {  	_ =	shalt  }
0x7d: {  	_ =	shalt  }
0x7e: {  	_ =	shalt  }
0x7f: {  	_ =	shalt  }
0x80: {  	_ =	shalt  }
0x81: {  	_ =	shalt  }
0x82: {  	_ =	shalt  }
0x83: {  	_ =	shalt  }
0x84: {  	_ =	shalt  }
0x85: {  	_ =	shalt  }
0x86: {  	_ =	shalt  }
0x87: {  	_ =	shalt  }
.Lfunc_end0:
.L_simem_size_0:
called_computation_lowered:
.L_overlay_start_0:
0x88: {  	s2 =	sld [smem:$0x3FD9]  }
0x89: {  	s3 =	sld [smem:$0x3FFE];
	_ =	sdelay $0x1  }
0x8a: {  	s1 =	srdreg.scid  }
0x8b: {  	s0 =	sand.u32 $0x1, s1  }
0x8c: {  	s18 =	sshll.u32 s0, $0xA;
	s2 =	sadd.s32 s3, s2  }
0x8d: {  	s2 =	sadd.s32 s2, s18  }
0x8e: {  	[smem:$0x3FC6] =	sst s2  }
0x8f: {  	_ = 	snop  }
0x90: {  	s2 =	sld [smem:$0x3FC9]  }
0x91: {  	s19 =	sld [smem:$0x3FC8]  }
0x92: {  	s4 =	sld [smem:$0x3FD0];
	(tm) =	ssettm $0x1  }
0x93: {  	s5 =	sld [smem:$0x3FFB];
	_ =	sdelay $0x3  }
0x94: {  	_ =	strace s5  }
0x95: {  	s5 =	sld [smem:$0x3FFC];
	_ =	sdelay $0x3  }
0x96: {  	_ =	strace s5  }
0x97: {  	s5 =	sld [smem:$0x3FFD];
	_ =	sdelay $0x3  }
0x98: {  	_ =	strace s5  }
0x99: {  	_ =	strace $0x8FFFFFFF  }
0x9a: {  	s20 =	sld [smem:$0x3FDB];
	_ =	sdelay $0x1  }
0x9b: {  	s6 =	simm.s32 $_scs_section_size  }
0x9c: {  	s7 =	simm.s32 $_size__tile_overlayer_lowered;
	s8 =	simm.s32 $_tile_overlayer_lowered  }
0x9d: {  	s23 =	simm.s32 $0x1BFF;
	s22 =	sshll.u32 s8, $0x1;
	s5 =	sadd.s32 s6, s20  }
0x9e: {  	s9 =	simm.s32 $0x0;
	s21 =	sshll.u32 s7, $0x1;
	s7 =	sadd.s32 s22, s5  }
0x9f: {  	[timem:s9], [sflag:s23] =	dma.local [hbm:s7], s21  }
0xa0: {  	_ =	swait.ge [sflag:s23], s21  }
0xa1: {  	s6 =	ssub.s32 $0x0, s21;
	[sflag:s23] =	ssyncset.done $0x0  }
0xa2: {  	[sflag:s23] =	ssyncadd.s32 s6;
	_ =	sdelay $0x1  }
0xa3: {  	s24 =	simm.s32 $0x1B8B  }
0xa4: {  	_ =	swait.ge [sflag:s24], $0x1  }
0xa5: {  	[sflag:s24] =	ssyncset.done $0x0  }
0xa6: {  	s25 =	simm.s32 $0x1B8E;
	[sflag:s24] =	ssyncadd.s32 $0xFFFFFFFF  }
0xa7: {  	s26 =	simm.s32 $execute0_lowered;
	[smem:$0x3FD2] =	sst s25  }
0xa8: {  	s6 =	sshll.u32 s26, $0x1;
	_ =	strace $0x80000046;
	[dreg:$0x1] =	wrdreg $0xFFFFFFFF  }
0xa9: {  	s28 =	simm.s32 $_size_execute0_lowered;
	s5 =	sadd.s32 s5, s6;
	[dreg:$0x0] =	wrdreg $0x0  }
0xaa: {  	s6 =	sshll.u32 s28, $0x1;
	[dreg:$0x2] =	wrdreg s5  }
0xab: {  	[dreg:$0x3] =	wrdreg s6  }
0xac: {  	[dreg:$0x4] =	wrdreg $0xC0  }
0xad: {  	_ =	task [dreg:s9], $0x5FFFF  }
0xae: {  	[dreg:$0x1] =	wrdreg $0xFFFFFFFF  }
0xaf: {  	[dreg:$0x0] =	wrdreg $0x60  }
0xb0: {  	[dreg:$0x2] =	wrdreg s2  }
0xb1: {  	[dreg:$0x3] =	wrdreg s19  }
0xb2: {  	[dreg:$0x4] =	wrdreg s4  }
0xb3: {  	[dreg:$0x5] =	wrdreg $0x9  }
0xb4: {  	_ =	task.clear_ibuf [dreg:s9], $0x6FFFF;
	_ =	strace $0x90000046  }
0xb5: {  	s29 =	simm.s32 $0x9;
	_ =	strace $0x80000048  }
0xb6: {  	_ =	swait.ge [sflag:s29], $0x1  }
0xb7: {  	[sflag:s29] =	ssyncadd.s32 $0xFFFFFFFF  }
0xb8: {  	_ =	strace $0x90000048  }
0xb9: {  	_ =	sfence  }
0xba: {  	s30 =	sld [smem:$0x0];
	_ =	sdelay $0x2  }
0xbb: {  	s31 =	sshll.u32 s1, $0xD;
	s1 =	sshrl.u32 s1, $0x2  }
0xbc: {  	s3 =	sand.u32 $0x4000, s31;
	s1 =	sadd.s32 s1, s30  }
0xbd: {  	s0 =	sor.u32 s3, s0;
	s1 =	sshll.u32 s1, $0x11  }
0xbe: {  	s0 =	sor.u32 s1, s0  }
0xbf: {  	s0 =	sadd.s32 $0x8F2B, s0  }
0xc0: {  	[sflag:s0] =	ssyncadd.remote.s32 $0x1  }
0xc1: {  	_ =	sfence.sel $0xFFFF  }
0xc2: {  	[dreg:$0x0] =	wrdreg $0xFFFFFFFF;
	(pc) =	sbr.abs _section_cstart, $3  }
0xc3: {  	[dreg:$0x1] =	wrdreg $0xFFFFFFFF  }
0xc4: {  	_ =	task.clear_ibuf [dreg:s9], $0x2FFFF;
	_ =	strace $0x9FFFFFFF  }
0xc5: {  	(tm) =	ssettm $0x7FFFFFFF  }
tec
execute0_lowered:
.L_overlay_start_1:
0x0: {  	(tag) =	ssettag $0x1  }
0x1: {  	s4 =	rddreg [dreg:$0x0]  }
0x2: {  	s5 =	rddreg [dreg:$0x2];
	s0 =	srdreg.scid  }
0x3: {  	s3 =	simm.s32 $0x0;
	s2 =	stileid.u32;
	s30 =	simm.s32 $0x11000  }
0x4: {  	s31 =	simm.s32 $0x6;
	[smem:$0x7FF] =	sst s3;
	s21 =	sadd.s32 $0x20, s4  }
0x5: {  	s6 =	sadd.s32 $0x40, s4;
	_ =	strace $0x80000047;
	[dreg:$0x5] =	wrdreg s21  }
0x6: {  	s0 =	sand.u32 $0x1, s0;
	s23 =	sadd.s32 $0x60, s4;
	[dreg:$0x6] =	wrdreg s6  }
0x7: {  	s2 =	sshll.u32 s2, $0x9;
	s25 =	sadd.s32 $0x20, s5;
	[dreg:$0x9] =	wrdreg s23  }
0x8: {  	s26 =	sadd.s32 $0x40, s5;
	s28 =	sadd.s32 $0x60, s5;
	[dreg:$0xd] =	wrdreg s25  }
0x9: {  	s5 =	simm.s32 $0x4;
	s1 =	ssub.s32 $0x2, s0;
	[dreg:$0xe] =	wrdreg s26  }
0xa: {  	s0 =	sshll.u32 s0, $0x8;
	[dreg:$0xf] =	wrdreg s28;
	s25 =	simm.s32 $0x9000  }
0xb: {  	s26 =	simm.s32 $0xD000;
	s19 =	sshrl.u32 s1, $0x1;
	s0 =	sor.u32 s0, s2  }
0xc: {  	s1 =	ssub.s32 s1, s19;
	s2 =	sshll.u32 s0, $0xA;
	s24 =	sshrl.u32 s0, $0x3  }
0xd: {  	s14 =	sor.u32 $0x8, s0;
	s0 =	sshll.u32 s0, $0x9;
	[dreg:$0xb] =	wrdreg s24  }
0xe: {  	s20 =	sadd.s32 s4, s2;
	s3 =	sadd.s32 s2, s21;
	[dreg:$0xc] =	wrdreg s0  }
.Ltmp0:
0xf: {  	s22 =	sadd.s32 s2, s6;
	[dreg:$0x4] =	wrdreg s20;
	(pc) =	sbr.rel .LBB2_1-.Ltmp0, $4  }
0x10: {  	s2 =	sadd.s32 s2, s23;
	s29 =	smax.u32 s1, $0x1;
	[dreg:$0x7] =	wrdreg s3  }
0x11: {  	s21 =	simm.s32 $0x100;
	s23 =	simm.s32 $0x1000;
	[dreg:$0x8] =	wrdreg s22  }
0x12: {  	s24 =	simm.s32 $0x5000;
	s1 =	simm.s32 $0x0;
	[dreg:$0xa] =	wrdreg s2  }
0x13: {  	[dreg:$0x10] =	wrdreg s29;
	s22 =	simm.s32 $0x400;
	s2 =	simm.s32 $0x5  }
.LBB2_16:
0x14: {  	_ =	swait.ge [sflag:s2], $0x2000  }
0x15: {  	[sflag:s2] =	ssyncset.done $0x0  }
0x16: {  	[sflag:s2] =	ssyncadd.s32 $0xFFFFE000  }
0x17: {  	_ =	swait.ge [sflag:s31], $0x2000  }
0x18: {  	s1 =	rddreg [dreg:$0x11]  }
0x19: {  	s0 =	rddreg [dreg:$0x10];
	s1 =	sadd.s32 $0x1, s1  }
0x1a: {  	p0 =	sne.s32 s1, s0  }
.Ltmp1:
0x1b: {  	_ = 	snop;
	(pc) =	sbr.rel @!p0 .LBB2_17-.Ltmp1, $3  }
0x1c: {  	_ =	sdelay $0x1  }
0x1d: {  	[sflag:s31] =	ssyncset.done $0x0  }
0x1e: {  	[sflag:s31] =	ssyncadd.s32 $0xFFFFE000  }
.LBB2_1:
0x1f: {  	[dreg:$0x11] =	wrdreg s1  }
0x20: {  	s0 =	rddreg [dreg:$0x1];
	s17 =	simm.s32 $0x0;
	s18 =	simm.s32 $0x7  }
0x21: {  	[tilespmem:s17], [sflag:$0x7] =	stream.linear.gather [hbm4b:s0+s17], $0x1000, $0x38;
	[tilespmem:$0x15000] =	vst v63  }
0x22: {  	_ =	swait.ge [sflag:s18], $0x1000  }
0x23: {  	[sflag:s18] =	ssyncset.done $0x0  }
0x24: {  	s19 =	rddreg [dreg:$0x4];
	[sflag:s18] =	ssyncadd.s32 $0xFFFFF000  }
0x25: {  	[tilespmem:s23], [sflag:$0x1] =	stream.strided.gather [hbm4b:s19+s21], $0x4000, s22, s21, $0x38;
	[tilespmem:$0x15000] =	vst v63  }
0x26: {  	s20 =	rddreg [dreg:$0x7]  }
0x27: {  	[tilespmem:s24], [sflag:$0x2] =	stream.strided.gather [hbm4b:s20+s21], $0x4000, s22, s21, $0x38;
	[tilespmem:$0x15000] =	vst v63  }
0x28: {  	s28 =	rddreg [dreg:$0x8]  }
0x29: {  	[tilespmem:s25], [sflag:$0x3] =	stream.strided.gather [hbm4b:s28+s21], $0x4000, s22, s21, $0x38;
	[tilespmem:$0x15000] =	vst v63  }
0x2a: {  	s9 =	simm.s32 $0x0;
	s29 =	rddreg [dreg:$0xa]  }
0x2b: {  	[tilespmem:s26], [sflag:$0x4] =	stream.strided.gather [hbm4b:s29+s21], $0x4000, s22, s21, $0x38;
	[tilespmem:$0x15000] =	vst v63  }
.LBB2_2:
0x2c: {  	s0 =	simm.s32 $0x1  }
0x2d: {  	_ =	swait.ge [sflag:s0], $0x4000  }
0x2e: {  	p0 =	seq.s32 s9, $0x0;
	[sflag:s0] =	ssyncset.done $0x0  }
0x2f: {  	[sflag:s0] =	ssyncadd.s32 $0xFFFFC000;
	s0 =	simm.s32 @!p0 $0x5  }
0x30: {  	_ =	swait.ge @!p0 [sflag:s0], $0x2000  }
0x31: {  	s4 =	simm.s32 $0x0;
	[sflag:s0] =	ssyncset.done @!p0 $0x0  }
0x32: {  	s13 =	sand.u32 $0x40, s4;
	[sflag:s0] =	ssyncadd.s32 @!p0 $0xFFFFE000  }
0x33: {  	s6 =	sand.u32 $0xF80, s4;
	s8 =	sor.u32 $0x30, s13;
	v0 =	vld [tilespmem:s4+$0x0]  }
0x34: {  	s1 =	sor.u32 s8, s6  }
0x35: {  	v1 =	vld [tilespmem:s1+$0x0]  }
0x36: {  	s10 =	sor.u32 $0x10, s13  }
0x37: {  	s18 =	sor.u32 $0x20, s13;
	s7 =	sor.u32 s10, s6  }
0x38: {  	s6 =	sor.u32 s18, s6;
	v2 =	vld [tilespmem:s7+$0x0];
	v3 =	vshll.u32 v0, $0x1  }
0x39: {  	v4 =	vld [tilespmem:s6+$0x0];
	v0 =	vand.u32 $0x7F, v0;
	v3 =	vand.u32 $0xFFFFFF00, v3  }
0x3a: {  	s19 =	simm.s32 $0x40;
	v0 =	vor.u32 v0, v3;
	v3 =	vshll.u32 v1, $0x1  }
0x3b: {  	s15 =	sand.u32 $0x40, s19;
	v1 =	vand.u32 $0x7F, v1;
	v3 =	vand.u32 $0xFFFFFF00, v3  }
0x3c: {  	s17 =	sor.u32 $0x10, s15;
	s6 =	sand.u32 $0xF80, s19;
	v1 =	vor.u32 v1, v3  }
0x3d: {  	s16 =	sor.u32 $0x30, s15;
	s7 =	sor.u32 $0x20, s15;
	s11 =	sor.u32 s17, s6;
	v5 =	vshll.u32 v2, $0x1;
	v3 =	vld [tilespmem:s19+$0x0]  }
0x3e: {  	s20 =	sor.u32 s16, s6;
	s6 =	sor.u32 s7, s6;
	v8 =	vld [tilespmem:s11+$0x0];
	v6 =	vshll.u32 v4, $0x1;
	v2 =	vand.u32 $0x7F, v2;
	v5 =	vand.u32 $0xFFFFFF00, v5  }
0x3f: {  	v10 =	vld [tilespmem:s6+$0x0];
	v4 =	vand.u32 $0x7F, v4;
	v6 =	vand.u32 $0xFFFFFF00, v6;
	v2 =	vor.u32 v2, v5  }
0x40: {  	v4 =	vor.u32 v4, v6;
	v5 =	vld [tilespmem:s20+$0x0]  }
0x41: {  	s4 =	sand.u32 $0x1F00, s4;
	v6 =	vld.idx.msk [tilespmem:v1+s23+$0x0], $0xffff  }
0x42: {  	s4 =	sadd.s32 $0x11000, s4;
	s6 =	simm.s32 $0x80;
	v7 =	vld.idx.msk [tilespmem:v0+s23+$0x0], $0xffff;
	v9 =	vshll.u32 v3, $0x1;
	v1 =	vor.u32 $0x80, v1  }
0x43: {  	s8 =	sor.u32 s8, s4;
	v13 =	vld [tilespmem:s6+$0x0];
	s12 =	sand.u32 $0x40, s6;
	v0 =	vor.u32 $0x80, v0;
	v3 =	vand.u32 $0x7F, v3;
	v9 =	vand.u32 $0xFFFFFF00, v9  }
0x44: {  	s0 =	sor.u32 s13, s4;
	s3 =	sand.u32 $0xF80, s6;
	s1 =	sor.u32 $0x10, s12;
	v11 =	vld.idx.msk [tilespmem:v2+s23+$0x0], $0xffff;
	v3 =	vor.u32 v3, v9  }
0x45: {  	s29 =	sor.u32 s10, s4;
	s4 =	sor.u32 s18, s4;
	s18 =	sor.u32 s1, s3;
	v12 =	vld.idx.msk [tilespmem:v4+s23+$0x0], $0xffff;
	v9 =	vor.u32 $0x80, v2;
	v2 =	vshll.u32 v5, $0x1  }
0x46: {  	v17 =	vor.u32 $0x80, v4;
	v4 =	vld [tilespmem:s18+$0x0];
	v5 =	vand.u32 $0x7F, v5;
	v2 =	vand.u32 $0xFFFFFF00, v2;
	[tilespmem:s8+$0x0] =	vst v6  }
0x47: {  	[tilespmem:s0+$0x0] =	vst v7;
	v14 =	vor.u32 v5, v2;
	v5 =	vld.idx.msk [tilespmem:v1+s23+$0x0], $0xffff;
	v1 =	vshll.u32 v8, $0x1  }
0x48: {  	p1 =	por $0x0, $0x0;
	v15 =	vld.idx.msk [tilespmem:v0+s23+$0x0], $0xffff;
	s8 =	simm.s32 $0x1;
	v6 =	vand.u32 $0x7F, v8;
	v0 =	vand.u32 $0xFFFFFF00, v1;
	v1 =	vshll.u32 v10, $0x1  }
0x49: {  	s20 =	sor.u32 $0x30, s12;
	[tilespmem:s29+$0x0] =	vst v11;
	v7 =	vand.u32 $0x7F, v10;
	s8 =	simm.s32 @!p1 $0x0;
	v2 =	vld.idx.msk [tilespmem:v3+s23+$0x0], $0xffff;
	v1 =	vand.u32 $0xFFFFFF00, v1;
	v10 =	vor.u32 v6, v0  }
0x4a: {  	s10 =	sshll.u32 s9, $0x3;
	s29 =	sor.u32 s20, s3;
	s19 =	sshll.u32 s8, $0x6;
	v16 =	vld.idx.msk [tilespmem:v9+s23+$0x0], $0xffff;
	v9 =	vor.u32 v7, v1  }
0x4b: {  	[tilespmem:s4+$0x0] =	vst v12;
	s4 =	simm.s32 $0x80;
	s0 =	sadd.s32 $0x0, s19;
	v6 =	vld [tilespmem:s29+$0x0];
	s19 =	sor.u32 $0x20, s12  }
0x4c: {  	s8 =	simm.s32 $0x8;
	s13 =	sadd.s32 $0x30, s0;
	v7 =	vld.idx.msk [tilespmem:v14+s23+$0x0], $0xffff;
	s11 =	sor.u32 s19, s3  }
0x4d: {  	v12 =	vshll.u32 v13, $0x1;
	s29 =	sand.u32 $0x1F00, s4;
	s28 =	sadd.s32 $0x10, s0;
	s13 =	sor.u32 $0x80, s13;
	v8 =	vld [tilespmem:s11+$0x0]  }
0x4e: {  	v11 =	vor.u32 $0x80, v14;
	s3 =	sor.u32 $0x80, s0;
	v1 =	vor.u32 $0x80, v10;
	s0 =	sadd.s32 $0x20, s0;
	v0 =	vor.u32 $0x80, v9;
	s28 =	sor.u32 $0x80, s28;
	[tilespmem:s13+$0x11000] =	vst v5;
	v5 =	vld.idx.msk [tilespmem:v10+s23+$0x0], $0xffff  }
0x4f: {  	[tilespmem:s3+$0x11000] =	vst v15;
	s11 =	sor.u32 $0x80, s0;
	s0 =	sadd.s32 $0x11000, s29;
	s13 =	simm.s32 $0xC0;
	v10 =	vand.u32 $0x7F, v13;
	v13 =	vand.u32 $0xFFFFFF00, v12;
	v12 =	vor.u32 $0x80, v3;
	v9 =	vld.idx.msk [tilespmem:v9+s23+$0x0], $0xffff  }
0x50: {  	s18 =	sor.u32 s17, s0;
	[tilespmem:s28+$0x11000] =	vst v16;
	s28 =	sor.u32 s15, s0;
	s15 =	sor.u32 s16, s0;
	v3 =	vor.u32 v10, v13;
	v13 =	vshll.u32 v6, $0x1;
	v10 =	vld.idx.msk [tilespmem:v17+s23+$0x0], $0xffff  }
.LBB2_3:
0x51: {  	s0 =	sor.u32 s7, s0;
	s16 =	smov.u32 s12  }
0x52: {  	v14 =	vld [tilespmem:s13+$0x0];
	v15 =	vshll.u32 v4, $0x1;
	v6 =	vand.u32 $0x7F, v6;
	v13 =	vand.u32 $0xFFFFFF00, v13;
	[tilespmem:s15+$0x0] =	vst v7;
	s15 =	smov.u32 s20;
	s6 =	sadd.s32 $0x40, s6;
	p1 =	por !p1, !p1  }
0x53: {  	s17 =	smov.u32 s1;
	s1 =	simm.s32 $0x1;
	s8 =	sadd.s32 $0x4, s8;
	v7 =	vand.u32 $0xFFFFFF00, v15;
	v15 =	vshll.u32 v8, $0x1;
	v13 =	vor.u32 v6, v13;
	[tilespmem:s28+$0x0] =	vst v2;
	v11 =	vld.idx.msk [tilespmem:v11+s23+$0x0], $0xffff  }
0x54: {  	v4 =	vand.u32 $0x7F, v4;
	s12 =	sand.u32 $0x40, s6;
	s7 =	sand.u32 $0xF80, s6;
	v6 =	vand.u32 $0x7F, v8;
	s1 =	simm.s32 @!p1 $0x0;
	v8 =	vand.u32 $0xFFFFFF00, v15;
	v12 =	vld.idx.msk [tilespmem:v12+s23+$0x0], $0xffff  }
0x55: {  	p2 =	slt.u32 s8, $0xFC;
	s20 =	sor.u32 $0x30, s12;
	v15 =	vor.u32 v4, v7;
	s1 =	sshll.u32 s1, $0x6;
	v2 =	vld.idx.msk [tilespmem:v3+s23+$0x0], $0xffff;
	v16 =	vor.u32 v6, v8;
	[tilespmem:s18+$0x0] =	vst v5  }
0x56: {  	s18 =	sor.u32 s20, s7;
	s28 =	sadd.s32 s1, s4;
	s1 =	sor.u32 $0x10, s12;
	v17 =	vor.u32 $0x80, v16;
	v18 =	vld.idx.msk [tilespmem:v1+s23+$0x0], $0xffff;
	v1 =	vor.u32 $0x80, v15;
	[tilespmem:s0+$0x0] =	vst v9  }
0x57: {  	s0 =	sor.u32 $0x20, s12;
	s29 =	sadd.s32 $0x10, s28;
	v6 =	vld [tilespmem:s18+$0x0];
	s18 =	sadd.s32 $0x30, s28;
	[tilespmem:s11+$0x11000] =	vst v10  }
0x58: {  	s11 =	sor.u32 s1, s7;
	s7 =	sor.u32 s0, s7;
	v7 =	vld.idx.msk [tilespmem:v13+s23+$0x0], $0xffff;
	s18 =	sor.u32 $0x80, s18  }
.Ltmp2:
0x59: {  	v4 =	vld [tilespmem:s11+$0x0];
	s11 =	sor.u32 $0x80, s28;
	s28 =	sadd.s32 $0x20, s28;
	[tilespmem:s18+$0x11000] =	vst v11;
	(pc) =	sbr.rel @p2 .LBB2_3-.Ltmp2, $4  }
0x5a: {  	s4 =	sadd.s32 $0x80, s4;
	v5 =	vshll.u32 v14, $0x1;
	v11 =	vor.u32 $0x80, v13;
	s18 =	sor.u32 $0x80, s29;
	v8 =	vld [tilespmem:s7+$0x0];
	[tilespmem:s11+$0x11000] =	vst v12;
	s11 =	sor.u32 $0x80, s28  }
0x5b: {  	v9 =	vand.u32 $0x7F, v14;
	v10 =	vand.u32 $0xFFFFFF00, v5;
	s28 =	sand.u32 $0x1F00, s4;
	v12 =	vor.u32 $0x80, v3;
	s7 =	smov.u32 s19;
	s19 =	smov.u32 s0;
	v5 =	vld.idx.msk [tilespmem:v15+s23+$0x0], $0xffff  }
0x5c: {  	s13 =	sadd.s32 $0x40, s13;
	v3 =	vor.u32 v9, v10;
	s0 =	sadd.s32 $0x11000, s28;
	v9 =	vld.idx.msk [tilespmem:v16+s23+$0x0], $0xffff;
	[tilespmem:s18+$0x11000] =	vst v18  }
0x5d: {  	v13 =	vshll.u32 v6, $0x1;
	s28 =	sor.u32 s16, s0;
	s18 =	sor.u32 s17, s0;
	s15 =	sor.u32 s15, s0;
	v10 =	vld.idx.msk [tilespmem:v0+s23+$0x0], $0xffff;
	v0 =	vmov v17  }
0x5e: {  	_ = 	snop  }
0x5f: {  	v6 =	vand.u32 $0x7F, v6;
	v13 =	vand.u32 $0xFFFFFF00, v13  }
0x60: {  	v6 =	vor.u32 v6, v13  }
0x61: {  	v14 =	vshll.u32 v4, $0x1  }
0x62: {  	v53 =	vand.u32 $0x7F, v4;
	[tilespmem:s15+$0x0] =	vst v7;
	p1 =	por !p1, !p1;
	s6 =	simm.s32 $0x1;
	v59 =	vld.idx.msk [tilespmem:v3+s23+$0x0], $0xffff;
	v51 =	vand.u32 $0xFFFFFF00, v14;
	v52 =	vshll.u32 v8, $0x1  }
0x63: {  	[tilespmem:s28+$0x0] =	vst v2;
	s17 =	sadd.s32 $0x80, s4;
	v54 =	vand.u32 $0x7F, v8;
	v56 =	vld.idx.msk [tilespmem:v11+s23+$0x0], $0xffff;
	s6 =	simm.s32 @!p1 $0x0;
	v55 =	vand.u32 $0xFFFFFF00, v52;
	v4 =	vor.u32 v53, v51  }
0x64: {  	s0 =	sor.u32 s7, s0;
	v57 =	vld.idx.msk [tilespmem:v12+s23+$0x0], $0xffff;
	s6 =	sshll.u32 s6, $0x6;
	[tilespmem:s18+$0x0] =	vst v5;
	s18 =	sand.u32 $0x1F00, s17;
	v7 =	vor.u32 v54, v55  }
0x65: {  	v60 =	vor.u32 $0x80, v3;
	s6 =	sadd.s32 s6, s4;
	[tilespmem:s0+$0x0] =	vst v9;
	s28 =	sadd.s32 $0x11000, s18;
	v58 =	vld.idx.msk [tilespmem:v6+s23+$0x0], $0xffff  }
0x66: {  	v1 =	vld.idx.msk [tilespmem:v1+s23+$0x0], $0xffff;
	s16 =	sadd.s32 $0x30, s6;
	[tilespmem:s11+$0x11000] =	vst v10;
	s29 =	sor.u32 s12, s28;
	v6 =	vor.u32 $0x80, v6  }
0x67: {  	v0 =	vld.idx.msk [tilespmem:v0+s23+$0x0], $0xffff;
	s0 =	sor.u32 $0x80, s16;
	[tilespmem:s29+$0x0] =	vst v59  }
0x68: {  	s8 =	sor.u32 $0x80, s6;
	[tilespmem:s0+$0x11000] =	vst v56;
	v61 =	vld.idx.msk [tilespmem:v4+s23+$0x0], $0xffff  }
0x69: {  	p1 =	por !p1, !p1;
	s7 =	sor.u32 s20, s28;
	s3 =	sadd.s32 $0x10, s6;
	[tilespmem:s8+$0x11000] =	vst v57;
	v4 =	vor.u32 $0x80, v4;
	v62 =	vld.idx.msk [tilespmem:v7+s23+$0x0], $0xffff  }
0x6a: {  	s6 =	sadd.s32 $0x20, s6;
	s11 =	sor.u32 $0x80, s3;
	v3 =	vld.idx.msk [tilespmem:v60+s23+$0x0], $0xffff;
	v7 =	vor.u32 $0x80, v7;
	[tilespmem:s7+$0x0] =	vst v58;
	s7 =	simm.s32 $0x1  }
0x6b: {  	s12 =	sor.u32 $0x80, s6;
	[tilespmem:s11+$0x11000] =	vst v1;
	v5 =	vld.idx.msk [tilespmem:v6+s23+$0x0], $0xffff;
	s7 =	simm.s32 @!p1 $0x0  }
0x6c: {  	s1 =	sor.u32 s1, s28;
	[tilespmem:s12+$0x11000] =	vst v0;
	s7 =	sshll.u32 s7, $0x6  }
0x6d: {  	s0 =	sor.u32 s19, s28;
	[tilespmem:s1+$0x0] =	vst v61;
	s4 =	sadd.s32 s7, s17  }
0x6e: {  	v4 =	vld.idx.msk [tilespmem:v4+s23+$0x0], $0xffff;
	[tilespmem:s0+$0x0] =	vst v62;
	s13 =	sadd.s32 $0x30, s4;
	s16 =	sor.u32 $0x80, s4  }
0x6f: {  	v63 =	vld.idx.msk [tilespmem:v7+s23+$0x0], $0xffff;
	s15 =	sor.u32 $0x80, s13;
	[tilespmem:s16+$0x11000] =	vst v3  }
0x70: {  	p1 =	sne.s32 s9, $0x1F;
	[tilespmem:s15+$0x11000] =	vst v5  }
.Ltmp3:
0x71: {  	s17 =	sadd.s32 $0x10, s4;
	s3 =	rddreg [dreg:$0xb];
	(pc) =	sbr.rel @p1 .LBB2_6-.Ltmp3, $4  }
0x72: {  	s18 =	sadd.s32 $0x20, s4;
	s19 =	sor.u32 $0x80, s17;
	s20 =	sadd.s32 s3, s9  }
0x73: {  	s29 =	rddreg [dreg:$0x2];
	s0 =	sor.u32 $0x80, s18;
	[tilespmem:s19+$0x11000] =	vst v4;
	s28 =	sshll.u32 s20, $0xC  }
0x74: {  	[tilespmem:s0+$0x11000] =	vst v63;
	s0 =	sadd.s32 s29, s28  }
0x75: {  	[hbm4b:s0+s21] =	stream.strided.scatter [tilespmem:s30], [sflag:$0x5], $0x2000, s22, s21, $0x38;
	[tilespmem:$0x15000] =	vst v63  }
.Ltmp4:
0x76: {  	(pc) =	sbr.rel .LBB2_7-.Ltmp4, $4  }
0x77: {  	s0 =	simm.s32 $0x2  }
0x78: {  	_ =	swait.ge [sflag:s0], $0x4000  }
0x79: {  	[sflag:s0] =	ssyncset.done $0x0  }
0x7a: {  	[sflag:s0] =	ssyncadd.s32 $0xFFFFC000  }
.LBB2_6:
0x7b: {  	s0 =	sadd.s32 s10, s14  }
0x7c: {  	s1 =	rddreg [dreg:$0x0];
	s0 =	sshll.u32 s0, $0xA  }
.Ltmp5:
0x7d: {  	s30 =	simm.s32 $0x2;
	s0 =	sadd.s32 s1, s0;
	(pc) =	sbr.rel @p0 .LBB2_8-.Ltmp5, $4  }
0x7e: {  	[tilespmem:s23], [sflag:$0x1] =	stream.strided.gather [hbm4b:s0+s21], $0x4000, s22, s21, $0x38;
	[tilespmem:$0x15000] =	vst v63  }
0x7f: {  	_ =	swait.ge [sflag:s30], $0x4000  }
0x80: {  	[sflag:s30] =	ssyncset.done $0x0  }
0x81: {  	[sflag:s30] =	ssyncadd.s32 $0xFFFFC000  }
.LBB2_7:
0x82: {  	_ =	swait.ge [sflag:s31], $0x2000  }
0x83: {  	[sflag:s31] =	ssyncset.done $0x0  }
0x84: {  	[sflag:s31] =	ssyncadd.s32 $0xFFFFE000  }
.LBB2_8:
0x85: {  	s0 =	simm.s32 $0x0  }
0x86: {  	s1 =	sand.u32 $0x40, s0  }
0x87: {  	v0 =	vld [tilespmem:s0+$0x0];
	s6 =	sand.u32 $0xF80, s0;
	s8 =	sor.u32 $0x30, s1  }
0x88: {  	s4 =	sor.u32 s8, s6  }
0x89: {  	v1 =	vld [tilespmem:s4+$0x0]  }
0x8a: {  	s11 =	sor.u32 $0x10, s1  }
0x8b: {  	s3 =	sor.u32 $0x20, s1;
	s7 =	sor.u32 s11, s6  }
0x8c: {  	s6 =	sor.u32 s3, s6;
	v2 =	vld [tilespmem:s7+$0x0];
	v3 =	vshll.u32 v0, $0x1  }
0x8d: {  	v4 =	vld [tilespmem:s6+$0x0];
	v0 =	vand.u32 $0x7F, v0;
	v3 =	vand.u32 $0xFFFFFF00, v3  }
0x8e: {  	s13 =	simm.s32 $0x40;
	v0 =	vor.u32 v0, v3;
	v3 =	vshll.u32 v1, $0x1  }
0x8f: {  	s16 =	sand.u32 $0x40, s13;
	v1 =	vand.u32 $0x7F, v1;
	v3 =	vand.u32 $0xFFFFFF00, v3  }
0x90: {  	s18 =	sor.u32 $0x10, s16;
	s6 =	sand.u32 $0xF80, s13;
	v1 =	vor.u32 v1, v3  }
0x91: {  	s17 =	sor.u32 $0x30, s16;
	s7 =	sor.u32 $0x20, s16;
	s12 =	sor.u32 s18, s6;
	v5 =	vshll.u32 v2, $0x1;
	v3 =	vld [tilespmem:s13+$0x0]  }
0x92: {  	s15 =	sor.u32 s17, s6;
	s6 =	sor.u32 s7, s6;
	v8 =	vld [tilespmem:s12+$0x0];
	v6 =	vshll.u32 v4, $0x1;
	v2 =	vand.u32 $0x7F, v2;
	v5 =	vand.u32 $0xFFFFFF00, v5  }
0x93: {  	v10 =	vld [tilespmem:s6+$0x0];
	v4 =	vand.u32 $0x7F, v4;
	v6 =	vand.u32 $0xFFFFFF00, v6;
	v2 =	vor.u32 v2, v5  }
0x94: {  	s0 =	sand.u32 $0x1F00, s0;
	v4 =	vor.u32 v4, v6;
	v5 =	vld [tilespmem:s15+$0x0]  }
0x95: {  	p0 =	por $0x0, $0x0;
	s0 =	sadd.s32 $0x13000, s0;
	v6 =	vld.idx.msk [tilespmem:v1+s24+$0x0], $0xffff  }
0x96: {  	s19 =	sor.u32 s11, s0;
	s11 =	simm.s32 $0x1;
	s6 =	simm.s32 $0x80;
	v7 =	vld.idx.msk [tilespmem:v0+s24+$0x0], $0xffff;
	v9 =	vshll.u32 v3, $0x1;
	v1 =	vor.u32 $0x80, v1  }
0x97: {  	s11 =	simm.s32 @!p0 $0x0;
	v13 =	vld [tilespmem:s6+$0x0];
	s12 =	sand.u32 $0x40, s6;
	v0 =	vor.u32 $0x80, v0;
	v3 =	vand.u32 $0x7F, v3;
	v9 =	vand.u32 $0xFFFFFF00, v9  }
0x98: {  	s20 =	sshll.u32 s11, $0x6;
	s4 =	sor.u32 $0x10, s12;
	s13 =	sand.u32 $0xF80, s6;
	v11 =	vld.idx.msk [tilespmem:v2+s24+$0x0], $0xffff;
	v3 =	vor.u32 v3, v9  }
0x99: {  	s8 =	sor.u32 s8, s0;
	s15 =	sadd.s32 $0x0, s20;
	s20 =	sor.u32 s4, s13;
	v12 =	vld.idx.msk [tilespmem:v4+s24+$0x0], $0xffff;
	v9 =	vor.u32 $0x80, v2;
	v2 =	vshll.u32 v5, $0x1  }
0x9a: {  	s1 =	sor.u32 s1, s0;
	v17 =	vor.u32 $0x80, v4;
	v4 =	vld [tilespmem:s20+$0x0];
	v5 =	vand.u32 $0x7F, v5;
	v2 =	vand.u32 $0xFFFFFF00, v2;
	[tilespmem:s8+$0x0] =	vst v6  }
0x9b: {  	[tilespmem:s1+$0x0] =	vst v7;
	v14 =	vor.u32 v5, v2;
	v5 =	vld.idx.msk [tilespmem:v1+s24+$0x0], $0xffff;
	v1 =	vshll.u32 v8, $0x1  }
0x9c: {  	v15 =	vld.idx.msk [tilespmem:v0+s24+$0x0], $0xffff;
	v6 =	vand.u32 $0x7F, v8;
	v0 =	vand.u32 $0xFFFFFF00, v1;
	v1 =	vshll.u32 v10, $0x1  }
0x9d: {  	s1 =	sor.u32 $0x30, s12;
	v7 =	vand.u32 $0x7F, v10;
	[tilespmem:s19+$0x0] =	vst v11;
	v2 =	vld.idx.msk [tilespmem:v3+s24+$0x0], $0xffff;
	v1 =	vand.u32 $0xFFFFFF00, v1;
	v10 =	vor.u32 v6, v0  }
0x9e: {  	s29 =	sor.u32 s1, s13;
	s19 =	sor.u32 $0x20, s12;
	v16 =	vld.idx.msk [tilespmem:v9+s24+$0x0], $0xffff;
	v9 =	vor.u32 v7, v1  }
0x9f: {  	s0 =	sor.u32 s3, s0;
	s13 =	sor.u32 s19, s13;
	v6 =	vld [tilespmem:s29+$0x0]  }
0xa0: {  	s11 =	simm.s32 $0x80;
	s30 =	sadd.s32 $0x30, s15;
	s3 =	sor.u32 $0x80, s15;
	v8 =	vld [tilespmem:s13+$0x0]  }
0xa1: {  	s28 =	sor.u32 $0x80, s30;
	s30 =	sadd.s32 $0x20, s15;
	s8 =	simm.s32 $0x8;
	[tilespmem:s0+$0x0] =	vst v12;
	v12 =	vshll.u32 v13, $0x1;
	v7 =	vld.idx.msk [tilespmem:v14+s24+$0x0], $0xffff  }
0xa2: {  	v11 =	vor.u32 $0x80, v14;
	s13 =	sor.u32 $0x80, s30;
	s29 =	sadd.s32 $0x10, s15;
	v1 =	vor.u32 $0x80, v10;
	v0 =	vor.u32 $0x80, v9;
	[tilespmem:s28+$0x13000] =	vst v5;
	s28 =	sand.u32 $0x1F00, s11;
	v5 =	vld.idx.msk [tilespmem:v10+s24+$0x0], $0xffff  }
0xa3: {  	[tilespmem:s3+$0x13000] =	vst v15;
	s15 =	simm.s32 $0xC0;
	s20 =	sor.u32 $0x80, s29;
	s0 =	sadd.s32 $0x13000, s28;
	v10 =	vand.u32 $0x7F, v13;
	v13 =	vand.u32 $0xFFFFFF00, v12;
	v12 =	vor.u32 $0x80, v3;
	v9 =	vld.idx.msk [tilespmem:v9+s24+$0x0], $0xffff  }
0xa4: {  	[tilespmem:s20+$0x13000] =	vst v16;
	s28 =	sor.u32 s16, s0;
	s20 =	sor.u32 s18, s0;
	s16 =	sor.u32 s17, s0;
	v3 =	vor.u32 v10, v13;
	v13 =	vshll.u32 v6, $0x1;
	v10 =	vld.idx.msk [tilespmem:v17+s24+$0x0], $0xffff  }
.LBB2_9:
0xa5: {  	s0 =	sor.u32 s7, s0;
	s17 =	smov.u32 s12  }
0xa6: {  	v14 =	vld [tilespmem:s15+$0x0];
	v15 =	vshll.u32 v4, $0x1;
	v6 =	vand.u32 $0x7F, v6;
	v13 =	vand.u32 $0xFFFFFF00, v13;
	[tilespmem:s16+$0x0] =	vst v7;
	s16 =	smov.u32 s1;
	s6 =	sadd.s32 $0x40, s6;
	p0 =	por !p0, !p0  }
0xa7: {  	s18 =	smov.u32 s4;
	s4 =	simm.s32 $0x1;
	s8 =	sadd.s32 $0x4, s8;
	v7 =	vand.u32 $0xFFFFFF00, v15;
	v15 =	vshll.u32 v8, $0x1;
	v13 =	vor.u32 v6, v13;
	[tilespmem:s28+$0x0] =	vst v2;
	v11 =	vld.idx.msk [tilespmem:v11+s24+$0x0], $0xffff  }
0xa8: {  	v4 =	vand.u32 $0x7F, v4;
	s12 =	sand.u32 $0x40, s6;
	s7 =	sand.u32 $0xF80, s6;
	v6 =	vand.u32 $0x7F, v8;
	s4 =	simm.s32 @!p0 $0x0;
	v8 =	vand.u32 $0xFFFFFF00, v15;
	v12 =	vld.idx.msk [tilespmem:v12+s24+$0x0], $0xffff  }
0xa9: {  	p1 =	slt.u32 s8, $0xFC;
	s1 =	sor.u32 $0x30, s12;
	v15 =	vor.u32 v4, v7;
	s4 =	sshll.u32 s4, $0x6;
	v2 =	vld.idx.msk [tilespmem:v3+s24+$0x0], $0xffff;
	v16 =	vor.u32 v6, v8;
	[tilespmem:s20+$0x0] =	vst v5  }
0xaa: {  	s20 =	sor.u32 s1, s7;
	s28 =	sadd.s32 s4, s11;
	s4 =	sor.u32 $0x10, s12;
	v17 =	vor.u32 $0x80, v16;
	v18 =	vld.idx.msk [tilespmem:v1+s24+$0x0], $0xffff;
	v1 =	vor.u32 $0x80, v15;
	[tilespmem:s0+$0x0] =	vst v9  }
0xab: {  	s0 =	sor.u32 $0x20, s12;
	s29 =	sadd.s32 $0x10, s28;
	v6 =	vld [tilespmem:s20+$0x0];
	s20 =	sadd.s32 $0x30, s28;
	[tilespmem:s13+$0x13000] =	vst v10  }
0xac: {  	s13 =	sor.u32 s4, s7;
	s7 =	sor.u32 s0, s7;
	v7 =	vld.idx.msk [tilespmem:v13+s24+$0x0], $0xffff;
	s20 =	sor.u32 $0x80, s20  }
.Ltmp6:
0xad: {  	v4 =	vld [tilespmem:s13+$0x0];
	s13 =	sor.u32 $0x80, s28;
	s28 =	sadd.s32 $0x20, s28;
	[tilespmem:s20+$0x13000] =	vst v11;
	(pc) =	sbr.rel @p1 .LBB2_9-.Ltmp6, $4  }
0xae: {  	s11 =	sadd.s32 $0x80, s11;
	v5 =	vshll.u32 v14, $0x1;
	v11 =	vor.u32 $0x80, v13;
	s20 =	sor.u32 $0x80, s29;
	v8 =	vld [tilespmem:s7+$0x0];
	[tilespmem:s13+$0x13000] =	vst v12;
	s13 =	sor.u32 $0x80, s28  }
0xaf: {  	v9 =	vand.u32 $0x7F, v14;
	v10 =	vand.u32 $0xFFFFFF00, v5;
	s28 =	sand.u32 $0x1F00, s11;
	v12 =	vor.u32 $0x80, v3;
	s7 =	smov.u32 s19;
	s19 =	smov.u32 s0;
	v5 =	vld.idx.msk [tilespmem:v15+s24+$0x0], $0xffff  }
0xb0: {  	s15 =	sadd.s32 $0x40, s15;
	v3 =	vor.u32 v9, v10;
	s0 =	sadd.s32 $0x13000, s28;
	v9 =	vld.idx.msk [tilespmem:v16+s24+$0x0], $0xffff;
	[tilespmem:s20+$0x13000] =	vst v18  }
0xb1: {  	v13 =	vshll.u32 v6, $0x1;
	s28 =	sor.u32 s17, s0;
	s20 =	sor.u32 s18, s0;
	s16 =	sor.u32 s16, s0;
	v10 =	vld.idx.msk [tilespmem:v0+s24+$0x0], $0xffff;
	v0 =	vmov v17  }
0xb2: {  	v6 =	vand.u32 $0x7F, v6  }
0xb3: {  	v13 =	vand.u32 $0xFFFFFF00, v13;
	v14 =	vshll.u32 v4, $0x1;
	v4 =	vand.u32 $0x7F, v4  }
0xb4: {  	v6 =	vor.u32 v6, v13;
	v13 =	vand.u32 $0xFFFFFF00, v14;
	v14 =	vshll.u32 v8, $0x1  }
0xb5: {  	[tilespmem:s16+$0x0] =	vst v7;
	p0 =	por !p0, !p0;
	s6 =	simm.s32 $0x1;
	v7 =	vand.u32 $0x7F, v8;
	v8 =	vand.u32 $0xFFFFFF00, v14;
	v4 =	vor.u32 v4, v13  }
0xb6: {  	[tilespmem:s28+$0x0] =	vst v2;
	v2 =	vld.idx.msk [tilespmem:v11+s24+$0x0], $0xffff;
	s6 =	simm.s32 @!p0 $0x0;
	v7 =	vor.u32 v7, v8  }
0xb7: {  	v11 =	vld.idx.msk [tilespmem:v3+s24+$0x0], $0xffff;
	s6 =	sshll.u32 s6, $0x6  }
0xb8: {  	s0 =	sor.u32 s7, s0;
	[tilespmem:s20+$0x0] =	vst v5;
	s20 =	sadd.s32 $0x80, s11;
	v8 =	vld.idx.msk [tilespmem:v12+s24+$0x0], $0xffff;
	s6 =	sadd.s32 s6, s11  }
0xb9: {  	v3 =	vor.u32 $0x80, v3;
	[tilespmem:s0+$0x0] =	vst v9;
	s8 =	sand.u32 $0x1F00, s20;
	s18 =	sadd.s32 $0x30, s6;
	v5 =	vld.idx.msk [tilespmem:v6+s24+$0x0], $0xffff  }
0xba: {  	[tilespmem:s13+$0x13000] =	vst v10;
	s3 =	sadd.s32 $0x13000, s8;
	s0 =	sor.u32 $0x80, s18;
	v6 =	vor.u32 $0x80, v6;
	v9 =	vld.idx.msk [tilespmem:v4+s24+$0x0], $0xffff  }
0xbb: {  	s8 =	sor.u32 s12, s3;
	[tilespmem:s0+$0x13000] =	vst v2;
	v4 =	vor.u32 $0x80, v4;
	v2 =	vld.idx.msk [tilespmem:v7+s24+$0x0], $0xffff  }
0xbc: {  	v1 =	vld.idx.msk [tilespmem:v1+s24+$0x0], $0xffff;
	s29 =	sor.u32 $0x80, s6;
	[tilespmem:s8+$0x0] =	vst v11;
	v7 =	vor.u32 $0x80, v7  }
0xbd: {  	v0 =	vld.idx.msk [tilespmem:v0+s24+$0x0], $0xffff;
	s1 =	sor.u32 s1, s3;
	[tilespmem:s29+$0x13000] =	vst v8  }
0xbe: {  	p0 =	por !p0, !p0;
	s4 =	sor.u32 s4, s3;
	v3 =	vld.idx.msk [tilespmem:v3+s24+$0x0], $0xffff;
	[tilespmem:s1+$0x0] =	vst v5;
	s1 =	simm.s32 $0x1  }
0xbf: {  	s11 =	sadd.s32 $0x10, s6;
	s0 =	sor.u32 s19, s3;
	v5 =	vld.idx.msk [tilespmem:v6+s24+$0x0], $0xffff;
	s1 =	simm.s32 @!p0 $0x0;
	[tilespmem:s4+$0x0] =	vst v9  }
0xc0: {  	s12 =	sadd.s32 $0x20, s6;
	s13 =	sor.u32 $0x80, s11;
	s1 =	sshll.u32 s1, $0x6;
	v4 =	vld.idx.msk [tilespmem:v4+s24+$0x0], $0xffff;
	[tilespmem:s0+$0x0] =	vst v2  }
0xc1: {  	s15 =	sor.u32 $0x80, s12;
	[tilespmem:s13+$0x13000] =	vst v1;
	s1 =	sadd.s32 s1, s20;
	v1 =	vld.idx.msk [tilespmem:v7+s24+$0x0], $0xffff  }
0xc2: {  	[tilespmem:s15+$0x13000] =	vst v0;
	s16 =	sadd.s32 $0x30, s1;
	s18 =	sor.u32 $0x80, s1  }
0xc3: {  	s19 =	sadd.s32 $0x10, s1;
	s17 =	sor.u32 $0x80, s16;
	[tilespmem:s18+$0x13000] =	vst v3  }
0xc4: {  	s20 =	sadd.s32 $0x20, s1;
	s29 =	sor.u32 $0x80, s19;
	[tilespmem:s17+$0x13000] =	vst v5  }
0xc5: {  	s0 =	sor.u32 $0x80, s20;
	[tilespmem:s29+$0x13000] =	vst v4  }
0xc6: {  	s3 =	sshll.u32 s9, $0xC;
	s1 =	rddreg [dreg:$0xc];
	[tilespmem:s0+$0x13000] =	vst v1  }
0xc7: {  	s12 =	sadd.s32 s1, s3;
	s0 =	rddreg [dreg:$0xd]  }
0xc8: {  	p0 =	seq.s32 s9, $0x1F;
	s4 =	simm.s32 $0x13000;
	s0 =	sadd.s32 s12, s0  }
0xc9: {  	[hbm4b:s0+s21] =	stream.strided.scatter [tilespmem:s4], [sflag:$0x6], $0x2000, s22, s21, $0x38;
	[tilespmem:$0x15000] =	vst v63  }
0xca: {  	s0 =	sadd.s32 @!p0 s10, s14  }
0xcb: {  	s0 =	sshll.u32 @!p0 s0, $0xA  }
0xcc: {  	s6 =	simm.s32 @!p0 $0x5000;
	s19 =	sand.u32 @!p0 $0xFFE000, s0;
	s0 =	rddreg [dreg:$0x5]  }
0xcd: {  	s1 =	simm.s32 @!p0 $0x100;
	s4 =	simm.s32 @!p0 $0x400;
	s0 =	sadd.s32 @!p0 s19, s0  }
0xce: {  	[tilespmem:s6], [sflag:$0x2] =	stream.strided.gather @!p0 [hbm4b:s0+s1], $0x4000, s4, s1, $0x38;
	[tilespmem:$0x15000] =	vst v63  }
0xcf: {  	s6 =	simm.s32 $0x3  }
0xd0: {  	_ =	swait.ge [sflag:s6], $0x4000  }
0xd1: {  	[sflag:s6] =	ssyncset.done $0x0  }
0xd2: {  	[sflag:s6] =	ssyncadd.s32 $0xFFFFC000  }
0xd3: {  	_ =	swait.ge [sflag:s2], $0x2000  }
0xd4: {  	s7 =	simm.s32 $0x0;
	[sflag:s2] =	ssyncset.done $0x0  }
0xd5: {  	s4 =	sand.u32 $0x40, s7;
	[sflag:s2] =	ssyncadd.s32 $0xFFFFE000  }
0xd6: {  	s8 =	sand.u32 $0xF80, s7;
	s11 =	sor.u32 $0x30, s4;
	v0 =	vld [tilespmem:s7+$0x0]  }
0xd7: {  	s15 =	sor.u32 s11, s8  }
0xd8: {  	s16 =	sor.u32 $0x10, s4;
	v1 =	vld [tilespmem:s15+$0x0]  }
0xd9: {  	s17 =	sor.u32 s16, s8;
	s6 =	sor.u32 $0x20, s4  }
0xda: {  	s1 =	sor.u32 s6, s8;
	v2 =	vld [tilespmem:s17+$0x0]  }
0xdb: {  	v4 =	vld [tilespmem:s1+$0x0];
	v3 =	vshll.u32 v0, $0x1  }
0xdc: {  	v0 =	vand.u32 $0x7F, v0;
	v3 =	vand.u32 $0xFFFFFF00, v3  }
0xdd: {  	s18 =	simm.s32 $0x40;
	v0 =	vor.u32 v0, v3;
	v3 =	vshll.u32 v1, $0x1  }
0xde: {  	s17 =	sand.u32 $0x40, s18;
	v1 =	vand.u32 $0x7F, v1;
	v3 =	vand.u32 $0xFFFFFF00, v3  }
0xdf: {  	s1 =	sand.u32 $0xF80, s18;
	s29 =	sor.u32 $0x10, s17;
	v5 =	vshll.u32 v2, $0x1;
	v1 =	vor.u32 v1, v3  }
0xe0: {  	s3 =	sor.u32 s29, s1;
	v6 =	vshll.u32 v4, $0x1;
	v2 =	vand.u32 $0x7F, v2;
	v5 =	vand.u32 $0xFFFFFF00, v5;
	v3 =	vld [tilespmem:s18+$0x0];
	s18 =	sor.u32 $0x30, s17  }
0xe1: {  	s8 =	sor.u32 $0x20, s17;
	v8 =	vld [tilespmem:s3+$0x0];
	v4 =	vand.u32 $0x7F, v4;
	v6 =	vand.u32 $0xFFFFFF00, v6;
	v2 =	vor.u32 v2, v5;
	s20 =	sor.u32 s18, s1  }
0xe2: {  	v4 =	vor.u32 v4, v6;
	s1 =	sor.u32 s8, s1;
	v5 =	vld [tilespmem:s20+$0x0]  }
0xe3: {  	s0 =	sand.u32 $0x1F00, s7;
	v10 =	vld [tilespmem:s1+$0x0]  }
0xe4: {  	p1 =	por $0x0, $0x0;
	s0 =	sadd.s32 $0x11000, s0;
	v6 =	vld.idx.msk [tilespmem:v1+s25+$0x0], $0xffff  }
0xe5: {  	s7 =	sor.u32 s11, s0;
	s11 =	simm.s32 $0x1;
	s1 =	simm.s32 $0x80;
	v7 =	vld.idx.msk [tilespmem:v0+s25+$0x0], $0xffff;
	v1 =	vor.u32 $0x80, v1  }
0xe6: {  	s13 =	sor.u32 s16, s0;
	s11 =	simm.s32 @!p1 $0x0;
	v0 =	vor.u32 $0x80, v0;
	v11 =	vld.idx.msk [tilespmem:v2+s25+$0x0], $0xffff;
	s20 =	sand.u32 $0x40, s1;
	v9 =	vshll.u32 v3, $0x1  }
0xe7: {  	s16 =	sshll.u32 s11, $0x6;
	v12 =	vld.idx.msk [tilespmem:v4+s25+$0x0], $0xffff;
	s15 =	sand.u32 $0xF80, s1;
	s11 =	sor.u32 $0x10, s20;
	v3 =	vand.u32 $0x7F, v3;
	v9 =	vand.u32 $0xFFFFFF00, v9  }
0xe8: {  	v13 =	vld [tilespmem:s1+$0x0];
	s28 =	sor.u32 s11, s15;
	v3 =	vor.u32 v3, v9;
	v9 =	vor.u32 $0x80, v2;
	v2 =	vshll.u32 v5, $0x1  }
0xe9: {  	s4 =	sor.u32 s4, s0;
	v17 =	vor.u32 $0x80, v4;
	v4 =	vld [tilespmem:s28+$0x0];
	v5 =	vand.u32 $0x7F, v5;
	v2 =	vand.u32 $0xFFFFFF00, v2;
	[tilespmem:s7+$0x0] =	vst v6  }
0xea: {  	s0 =	sor.u32 s6, s0;
	s6 =	sor.u32 $0x20, s20;
	[tilespmem:s4+$0x0] =	vst v7;
	s4 =	sor.u32 $0x30, s20;
	v14 =	vor.u32 v5, v2;
	v5 =	vld.idx.msk [tilespmem:v1+s25+$0x0], $0xffff;
	v1 =	vshll.u32 v8, $0x1  }
0xeb: {  	v15 =	vld.idx.msk [tilespmem:v0+s25+$0x0], $0xffff;
	s3 =	sor.u32 s4, s15;
	s15 =	sor.u32 s6, s15;
	v6 =	vand.u32 $0x7F, v8;
	v0 =	vand.u32 $0xFFFFFF00, v1;
	v1 =	vshll.u32 v10, $0x1  }
0xec: {  	[tilespmem:s13+$0x0] =	vst v11;
	v7 =	vand.u32 $0x7F, v10;
	v8 =	vld [tilespmem:s15+$0x0];
	v1 =	vand.u32 $0xFFFFFF00, v1;
	v10 =	vor.u32 v6, v0  }
0xed: {  	v16 =	vld.idx.msk [tilespmem:v9+s25+$0x0], $0xffff;
	v9 =	vor.u32 v7, v1  }
0xee: {  	s16 =	sadd.s32 $0x0, s16;
	v6 =	vld [tilespmem:s3+$0x0]  }
0xef: {  	s28 =	sadd.s32 $0x10, s16;
	s13 =	simm.s32 $0x8;
	s7 =	sadd.s32 $0x30, s16;
	v2 =	vld.idx.msk [tilespmem:v3+s25+$0x0], $0xffff  }
0xf0: {  	[tilespmem:s0+$0x0] =	vst v12;
	v12 =	vshll.u32 v13, $0x1;
	s30 =	sor.u32 $0x80, s7;
	s7 =	simm.s32 $0x80;
	s3 =	sor.u32 $0x80, s16;
	v7 =	vld.idx.msk [tilespmem:v14+s25+$0x0], $0xffff  }
0xf1: {  	v11 =	vor.u32 $0x80, v14;
	s16 =	sadd.s32 $0x20, s16;
	v1 =	vor.u32 $0x80, v10;
	v0 =	vor.u32 $0x80, v9;
	[tilespmem:s30+$0x11000] =	vst v5;
	s30 =	sor.u32 $0x80, s28;
	s28 =	sand.u32 $0x1F00, s7;
	v5 =	vld.idx.msk [tilespmem:v10+s25+$0x0], $0xffff  }
0xf2: {  	[tilespmem:s3+$0x11000] =	vst v15;
	s15 =	sor.u32 $0x80, s16;
	s16 =	simm.s32 $0xC0;
	s28 =	sadd.s32 $0x11000, s28;
	v10 =	vand.u32 $0x7F, v13;
	v13 =	vand.u32 $0xFFFFFF00, v12;
	v12 =	vor.u32 $0x80, v3;
	v9 =	vld.idx.msk [tilespmem:v9+s25+$0x0], $0xffff  }
0xf3: {  	[tilespmem:s30+$0x11000] =	vst v16;
	s30 =	sor.u32 s17, s28;
	s0 =	sor.u32 s29, s28;
	s17 =	sor.u32 s18, s28;
	v3 =	vor.u32 v10, v13;
	v13 =	vshll.u32 v6, $0x1;
	v10 =	vld.idx.msk [tilespmem:v17+s25+$0x0], $0xffff  }
.LBB2_11:
0xf4: {  	s8 =	sor.u32 s8, s28;
	s18 =	smov.u32 s20  }
0xf5: {  	v14 =	vld [tilespmem:s16+$0x0];
	v15 =	vshll.u32 v4, $0x1;
	v6 =	vand.u32 $0x7F, v6;
	v13 =	vand.u32 $0xFFFFFF00, v13;
	[tilespmem:s17+$0x0] =	vst v7;
	s17 =	smov.u32 s4;
	s1 =	sadd.s32 $0x40, s1;
	p1 =	por !p1, !p1  }
0xf6: {  	s29 =	smov.u32 s11;
	s11 =	simm.s32 $0x1;
	s13 =	sadd.s32 $0x4, s13;
	v7 =	vand.u32 $0xFFFFFF00, v15;
	v15 =	vshll.u32 v8, $0x1;
	v13 =	vor.u32 v6, v13;
	[tilespmem:s30+$0x0] =	vst v2;
	v11 =	vld.idx.msk [tilespmem:v11+s25+$0x0], $0xffff  }
0xf7: {  	v4 =	vand.u32 $0x7F, v4;
	s20 =	sand.u32 $0x40, s1;
	s28 =	sand.u32 $0xF80, s1;
	v6 =	vand.u32 $0x7F, v8;
	s11 =	simm.s32 @!p1 $0x0;
	v8 =	vand.u32 $0xFFFFFF00, v15;
	v12 =	vld.idx.msk [tilespmem:v12+s25+$0x0], $0xffff  }
0xf8: {  	p2 =	slt.u32 s13, $0xFC;
	s4 =	sor.u32 $0x30, s20;
	v15 =	vor.u32 v4, v7;
	s11 =	sshll.u32 s11, $0x6;
	v2 =	vld.idx.msk [tilespmem:v3+s25+$0x0], $0xffff;
	v16 =	vor.u32 v6, v8;
	[tilespmem:s0+$0x0] =	vst v5  }
0xf9: {  	s0 =	sor.u32 s4, s28;
	s30 =	sadd.s32 s11, s7;
	s11 =	sor.u32 $0x10, s20;
	v17 =	vor.u32 $0x80, v16;
	v18 =	vld.idx.msk [tilespmem:v1+s25+$0x0], $0xffff;
	v1 =	vor.u32 $0x80, v15;
	[tilespmem:s8+$0x0] =	vst v9  }
0xfa: {  	s3 =	sor.u32 $0x20, s20;
	s8 =	sor.u32 s11, s28;
	v6 =	vld [tilespmem:s0+$0x0];
	s0 =	sadd.s32 $0x30, s30;
	[tilespmem:s15+$0x11000] =	vst v10  }
0xfb: {  	s15 =	sor.u32 s3, s28;
	s28 =	sadd.s32 $0x10, s30;
	v7 =	vld.idx.msk [tilespmem:v13+s25+$0x0], $0xffff;
	s0 =	sor.u32 $0x80, s0  }
.Ltmp7:
0xfc: {  	v4 =	vld [tilespmem:s8+$0x0];
	s8 =	sor.u32 $0x80, s30;
	s30 =	sadd.s32 $0x20, s30;
	[tilespmem:s0+$0x11000] =	vst v11;
	(pc) =	sbr.rel @p2 .LBB2_11-.Ltmp7, $4  }
0xfd: {  	s7 =	sadd.s32 $0x80, s7;
	v5 =	vshll.u32 v14, $0x1;
	v11 =	vor.u32 $0x80, v13;
	s0 =	sor.u32 $0x80, s28;
	v8 =	vld [tilespmem:s15+$0x0];
	[tilespmem:s8+$0x11000] =	vst v12;
	s15 =	sor.u32 $0x80, s30  }
0xfe: {  	v9 =	vand.u32 $0x7F, v14;
	v10 =	vand.u32 $0xFFFFFF00, v5;
	s28 =	sand.u32 $0x1F00, s7;
	v12 =	vor.u32 $0x80, v3;
	s8 =	smov.u32 s6;
	s6 =	smov.u32 s3;
	v5 =	vld.idx.msk [tilespmem:v15+s25+$0x0], $0xffff  }
0xff: {  	s16 =	sadd.s32 $0x40, s16;
	v3 =	vor.u32 v9, v10;
	s28 =	sadd.s32 $0x11000, s28;
	v9 =	vld.idx.msk [tilespmem:v16+s25+$0x0], $0xffff;
	[tilespmem:s0+$0x11000] =	vst v18  }
0x100: {  	s30 =	sor.u32 s18, s28;
	s17 =	sor.u32 s17, s28;
	v13 =	vshll.u32 v6, $0x1;
	s0 =	sor.u32 s29, s28;
	v10 =	vld.idx.msk [tilespmem:v0+s25+$0x0], $0xffff;
	v0 =	vmov v17  }
0x101: {  	v6 =	vand.u32 $0x7F, v6  }
0x102: {  	v13 =	vand.u32 $0xFFFFFF00, v13;
	v14 =	vshll.u32 v4, $0x1;
	v4 =	vand.u32 $0x7F, v4  }
0x103: {  	v6 =	vor.u32 v6, v13;
	v13 =	vand.u32 $0xFFFFFF00, v14;
	v14 =	vshll.u32 v8, $0x1  }
0x104: {  	[tilespmem:s17+$0x0] =	vst v7;
	p1 =	por !p1, !p1;
	s1 =	simm.s32 $0x1;
	v7 =	vand.u32 $0x7F, v8;
	v8 =	vand.u32 $0xFFFFFF00, v14;
	v4 =	vor.u32 v4, v13  }
0x105: {  	[tilespmem:s30+$0x0] =	vst v2;
	v2 =	vld.idx.msk [tilespmem:v11+s25+$0x0], $0xffff;
	s1 =	simm.s32 @!p1 $0x0;
	v7 =	vor.u32 v7, v8  }
0x106: {  	s3 =	sor.u32 s8, s28;
	v11 =	vld.idx.msk [tilespmem:v3+s25+$0x0], $0xffff;
	s1 =	sshll.u32 s1, $0x6  }
0x107: {  	v8 =	vld.idx.msk [tilespmem:v12+s25+$0x0], $0xffff;
	s16 =	sadd.s32 s1, s7;
	[tilespmem:s3+$0x0] =	vst v9;
	s3 =	sadd.s32 $0x80, s7  }
0x108: {  	v3 =	vor.u32 $0x80, v3;
	[tilespmem:s0+$0x0] =	vst v5;
	s1 =	sadd.s32 $0x30, s16;
	s7 =	sand.u32 $0x1F00, s3;
	v5 =	vld.idx.msk [tilespmem:v6+s25+$0x0], $0xffff  }
0x109: {  	[tilespmem:s15+$0x11000] =	vst v10;
	s1 =	sor.u32 $0x80, s1;
	s18 =	sadd.s32 $0x11000, s7;
	v6 =	vor.u32 $0x80, v6;
	v9 =	vld.idx.msk [tilespmem:v4+s25+$0x0], $0xffff  }
0x10a: {  	[tilespmem:s1+$0x11000] =	vst v2;
	s7 =	sor.u32 s20, s18;
	v4 =	vor.u32 $0x80, v4;
	v2 =	vld.idx.msk [tilespmem:v7+s25+$0x0], $0xffff  }
0x10b: {  	v1 =	vld.idx.msk [tilespmem:v1+s25+$0x0], $0xffff;
	s17 =	sor.u32 $0x80, s16;
	[tilespmem:s7+$0x0] =	vst v11;
	v7 =	vor.u32 $0x80, v7  }
0x10c: {  	v0 =	vld.idx.msk [tilespmem:v0+s25+$0x0], $0xffff;
	s4 =	sor.u32 s4, s18;
	[tilespmem:s17+$0x11000] =	vst v8  }
0x10d: {  	p1 =	por !p1, !p1;
	s13 =	sor.u32 s11, s18;
	v3 =	vld.idx.msk [tilespmem:v3+s25+$0x0], $0xffff;
	[tilespmem:s4+$0x0] =	vst v5;
	s4 =	simm.s32 $0x1  }
0x10e: {  	s15 =	sadd.s32 $0x10, s16;
	s1 =	sor.u32 s6, s18;
	v5 =	vld.idx.msk [tilespmem:v6+s25+$0x0], $0xffff;
	s4 =	simm.s32 @!p1 $0x0;
	[tilespmem:s13+$0x0] =	vst v9  }
0x10f: {  	s0 =	sadd.s32 $0x20, s16;
	s16 =	sor.u32 $0x80, s15;
	s4 =	sshll.u32 s4, $0x6;
	v4 =	vld.idx.msk [tilespmem:v4+s25+$0x0], $0xffff;
	[tilespmem:s1+$0x0] =	vst v2  }
0x110: {  	s0 =	sor.u32 $0x80, s0;
	[tilespmem:s16+$0x11000] =	vst v1;
	s3 =	sadd.s32 s4, s3;
	v1 =	vld.idx.msk [tilespmem:v7+s25+$0x0], $0xffff  }
0x111: {  	[tilespmem:s0+$0x11000] =	vst v0;
	s17 =	sadd.s32 $0x30, s3;
	s20 =	sor.u32 $0x80, s3  }
0x112: {  	s4 =	sadd.s32 $0x10, s3;
	s18 =	sor.u32 $0x80, s17;
	[tilespmem:s20+$0x11000] =	vst v3  }
0x113: {  	s6 =	sadd.s32 $0x20, s3;
	s7 =	sor.u32 $0x80, s4;
	[tilespmem:s18+$0x11000] =	vst v5  }
0x114: {  	s0 =	sor.u32 $0x80, s6;
	[tilespmem:s7+$0x11000] =	vst v4  }
0x115: {  	[tilespmem:s0+$0x11000] =	vst v1  }
0x116: {  	s0 =	rddreg [dreg:$0xe]  }
0x117: {  	s30 =	simm.s32 $0x11000;
	s0 =	sadd.s32 s12, s0  }
0x118: {  	[hbm4b:s0+s21] =	stream.strided.scatter [tilespmem:s30], [sflag:$0x5], $0x2000, s22, s21, $0x38;
	[tilespmem:$0x15000] =	vst v63  }
0x119: {  	s1 =	simm.s32 @!p0 $0x100;
	s0 =	rddreg [dreg:$0x6]  }
0x11a: {  	s3 =	simm.s32 @!p0 $0x400;
	s4 =	simm.s32 @!p0 $0x9000;
	s0 =	sadd.s32 @!p0 s19, s0  }
0x11b: {  	[tilespmem:s4], [sflag:$0x3] =	stream.strided.gather @!p0 [hbm4b:s0+s1], $0x4000, s3, s1, $0x38;
	[tilespmem:$0x15000] =	vst v63  }
0x11c: {  	_ =	swait.ge [sflag:s5], $0x4000  }
0x11d: {  	[sflag:s5] =	ssyncset.done $0x0  }
0x11e: {  	[sflag:s5] =	ssyncadd.s32 $0xFFFFC000  }
0x11f: {  	_ =	swait.ge [sflag:s31], $0x2000  }
0x120: {  	s0 =	simm.s32 $0x0;
	[sflag:s31] =	ssyncset.done $0x0  }
0x121: {  	s3 =	sand.u32 $0x40, s0;
	[sflag:s31] =	ssyncadd.s32 $0xFFFFE000  }
0x122: {  	s8 =	sand.u32 $0xF80, s0;
	s4 =	sor.u32 $0x30, s3;
	v0 =	vld [tilespmem:s0+$0x0]  }
0x123: {  	s11 =	sor.u32 s4, s8  }
0x124: {  	s7 =	sor.u32 $0x10, s3;
	v1 =	vld [tilespmem:s11+$0x0]  }
0x125: {  	s13 =	sor.u32 s7, s8  }
0x126: {  	s6 =	sor.u32 $0x20, s3;
	v2 =	vld [tilespmem:s13+$0x0]  }
0x127: {  	s1 =	sor.u32 s6, s8;
	v3 =	vshll.u32 v0, $0x1  }
0x128: {  	v4 =	vld [tilespmem:s1+$0x0];
	v0 =	vand.u32 $0x7F, v0;
	v3 =	vand.u32 $0xFFFFFF00, v3  }
0x129: {  	s15 =	simm.s32 $0x40;
	v0 =	vor.u32 v0, v3;
	v3 =	vshll.u32 v1, $0x1  }
0x12a: {  	s17 =	sand.u32 $0x40, s15;
	v1 =	vand.u32 $0x7F, v1;
	v3 =	vand.u32 $0xFFFFFF00, v3  }
0x12b: {  	s20 =	sor.u32 $0x10, s17;
	s1 =	sand.u32 $0xF80, s15;
	v5 =	vshll.u32 v2, $0x1;
	v1 =	vor.u32 v1, v3;
	v3 =	vld [tilespmem:s15+$0x0]  }
0x12c: {  	s18 =	sor.u32 $0x30, s17;
	s19 =	sor.u32 s20, s1;
	v2 =	vand.u32 $0x7F, v2;
	v5 =	vand.u32 $0xFFFFFF00, v5  }
0x12d: {  	s16 =	sor.u32 s18, s1;
	v8 =	vld [tilespmem:s19+$0x0];
	v6 =	vshll.u32 v4, $0x1;
	v2 =	vor.u32 v2, v5  }
0x12e: {  	v4 =	vand.u32 $0x7F, v4;
	v6 =	vand.u32 $0xFFFFFF00, v6;
	v5 =	vld [tilespmem:s16+$0x0]  }
0x12f: {  	s8 =	sor.u32 $0x20, s17;
	v4 =	vor.u32 v4, v6;
	v7 =	vld.idx.msk [tilespmem:v0+s26+$0x0], $0xffff  }
0x130: {  	s1 =	sor.u32 s8, s1;
	v0 =	vor.u32 $0x80, v0;
	v6 =	vld.idx.msk [tilespmem:v1+s26+$0x0], $0xffff;
	v9 =	vshll.u32 v3, $0x1  }
0x131: {  	s0 =	sand.u32 $0x1F00, s0;
	v10 =	vld [tilespmem:s1+$0x0];
	v1 =	vor.u32 $0x80, v1;
	v3 =	vand.u32 $0x7F, v3;
	v9 =	vand.u32 $0xFFFFFF00, v9  }
0x132: {  	s0 =	sadd.s32 $0x13000, s0;
	s1 =	simm.s32 $0x80;
	v11 =	vld.idx.msk [tilespmem:v2+s26+$0x0], $0xffff;
	v3 =	vor.u32 v3, v9  }
0x133: {  	s3 =	sor.u32 s3, s0;
	v13 =	vld [tilespmem:s1+$0x0];
	v9 =	vor.u32 $0x80, v2;
	v2 =	vshll.u32 v5, $0x1  }
0x134: {  	s4 =	sor.u32 s4, s0;
	v12 =	vld.idx.msk [tilespmem:v4+s26+$0x0], $0xffff;
	v5 =	vand.u32 $0x7F, v5;
	v2 =	vand.u32 $0xFFFFFF00, v2;
	[tilespmem:s3+$0x0] =	vst v7  }
0x135: {  	v14 =	vor.u32 v5, v2;
	v15 =	vld.idx.msk [tilespmem:v0+s26+$0x0], $0xffff;
	[tilespmem:s4+$0x0] =	vst v6  }
0x136: {  	p1 =	por $0x0, $0x0;
	s11 =	sor.u32 s7, s0;
	s19 =	sand.u32 $0x40, s1;
	v5 =	vld.idx.msk [tilespmem:v1+s26+$0x0], $0xffff;
	v1 =	vshll.u32 v8, $0x1  }
0x137: {  	s7 =	simm.s32 $0x1;
	s15 =	sand.u32 $0xF80, s1;
	[tilespmem:s11+$0x0] =	vst v11;
	v6 =	vand.u32 $0x7F, v8;
	s4 =	sor.u32 $0x30, s19;
	v0 =	vand.u32 $0xFFFFFF00, v1;
	v1 =	vshll.u32 v10, $0x1;
	v2 =	vld.idx.msk [tilespmem:v3+s26+$0x0], $0xffff  }
0x138: {  	s0 =	sor.u32 s6, s0;
	s7 =	simm.s32 @!p1 $0x0;
	v7 =	vand.u32 $0x7F, v10;
	s16 =	sor.u32 s4, s15;
	v16 =	vld.idx.msk [tilespmem:v9+s26+$0x0], $0xffff;
	v1 =	vand.u32 $0xFFFFFF00, v1;
	v10 =	vor.u32 v6, v0  }
0x139: {  	s13 =	sshll.u32 s7, $0x6;
	s6 =	sor.u32 $0x20, s19;
	s11 =	sor.u32 $0x10, s19;
	v6 =	vld [tilespmem:s16+$0x0];
	v9 =	vor.u32 v7, v1  }
0x13a: {  	v17 =	vor.u32 $0x80, v4;
	s3 =	sadd.s32 $0x0, s13;
	s13 =	simm.s32 $0x8;
	s16 =	sor.u32 s11, s15;
	v7 =	vld.idx.msk [tilespmem:v14+s26+$0x0], $0xffff  }
0x13b: {  	[tilespmem:s0+$0x0] =	vst v12;
	s7 =	sadd.s32 $0x30, s3;
	s0 =	sor.u32 $0x80, s3;
	s15 =	sor.u32 s6, s15;
	v4 =	vld [tilespmem:s16+$0x0]  }
0x13c: {  	v12 =	vshll.u32 v13, $0x1;
	s28 =	sor.u32 $0x80, s7;
	s7 =	simm.s32 $0x80;
	s16 =	sadd.s32 $0x10, s3;
	v8 =	vld [tilespmem:s15+$0x0]  }
0x13d: {  	v11 =	vor.u32 $0x80, v14;
	v1 =	vor.u32 $0x80, v10;
	s3 =	sadd.s32 $0x20, s3;
	v0 =	vor.u32 $0x80, v9;
	s29 =	sor.u32 $0x80, s16;
	[tilespmem:s28+$0x13000] =	vst v5;
	s28 =	sand.u32 $0x1F00, s7;
	v5 =	vld.idx.msk [tilespmem:v10+s26+$0x0], $0xffff  }
0x13e: {  	[tilespmem:s0+$0x13000] =	vst v15;
	s15 =	sor.u32 $0x80, s3;
	s16 =	simm.s32 $0xC0;
	s28 =	sadd.s32 $0x13000, s28;
	v10 =	vand.u32 $0x7F, v13;
	v13 =	vand.u32 $0xFFFFFF00, v12;
	v12 =	vor.u32 $0x80, v3;
	v9 =	vld.idx.msk [tilespmem:v9+s26+$0x0], $0xffff  }
0x13f: {  	[tilespmem:s29+$0x13000] =	vst v16;
	s29 =	sor.u32 s17, s28;
	s0 =	sor.u32 s20, s28;
	s17 =	sor.u32 s18, s28;
	v3 =	vor.u32 v10, v13;
	v13 =	vshll.u32 v6, $0x1;
	v10 =	vld.idx.msk [tilespmem:v17+s26+$0x0], $0xffff  }
.LBB2_13:
0x140: {  	s3 =	sor.u32 s8, s28;
	s18 =	smov.u32 s19  }
0x141: {  	v14 =	vld [tilespmem:s16+$0x0];
	v15 =	vshll.u32 v4, $0x1;
	v6 =	vand.u32 $0x7F, v6;
	v13 =	vand.u32 $0xFFFFFF00, v13;
	[tilespmem:s17+$0x0] =	vst v7;
	s17 =	smov.u32 s4;
	s1 =	sadd.s32 $0x40, s1;
	p1 =	por !p1, !p1  }
0x142: {  	s20 =	smov.u32 s11;
	s11 =	simm.s32 $0x1;
	s13 =	sadd.s32 $0x4, s13;
	v7 =	vand.u32 $0xFFFFFF00, v15;
	v15 =	vshll.u32 v8, $0x1;
	v13 =	vor.u32 v6, v13;
	[tilespmem:s29+$0x0] =	vst v2;
	v11 =	vld.idx.msk [tilespmem:v11+s26+$0x0], $0xffff  }
0x143: {  	v4 =	vand.u32 $0x7F, v4;
	s19 =	sand.u32 $0x40, s1;
	s8 =	sand.u32 $0xF80, s1;
	v6 =	vand.u32 $0x7F, v8;
	s11 =	simm.s32 @!p1 $0x0;
	v8 =	vand.u32 $0xFFFFFF00, v15;
	v12 =	vld.idx.msk [tilespmem:v12+s26+$0x0], $0xffff  }
0x144: {  	p2 =	slt.u32 s13, $0xFC;
	s4 =	sor.u32 $0x30, s19;
	v15 =	vor.u32 v4, v7;
	s11 =	sshll.u32 s11, $0x6;
	v2 =	vld.idx.msk [tilespmem:v3+s26+$0x0], $0xffff;
	v16 =	vor.u32 v6, v8;
	[tilespmem:s0+$0x0] =	vst v5  }
0x145: {  	s0 =	sor.u32 s4, s8;
	s28 =	sadd.s32 s11, s7;
	s11 =	sor.u32 $0x10, s19;
	v17 =	vor.u32 $0x80, v16;
	v18 =	vld.idx.msk [tilespmem:v1+s26+$0x0], $0xffff;
	v1 =	vor.u32 $0x80, v15;
	[tilespmem:s3+$0x0] =	vst v9  }
0x146: {  	s3 =	sor.u32 $0x20, s19;
	s29 =	sadd.s32 $0x10, s28;
	v6 =	vld [tilespmem:s0+$0x0];
	s0 =	sadd.s32 $0x30, s28;
	[tilespmem:s15+$0x13000] =	vst v10  }
0x147: {  	s15 =	sor.u32 s11, s8;
	s8 =	sor.u32 s3, s8;
	v7 =	vld.idx.msk [tilespmem:v13+s26+$0x0], $0xffff;
	s0 =	sor.u32 $0x80, s0  }
.Ltmp8:
0x148: {  	v4 =	vld [tilespmem:s15+$0x0];
	s15 =	sor.u32 $0x80, s28;
	s28 =	sadd.s32 $0x20, s28;
	[tilespmem:s0+$0x13000] =	vst v11;
	(pc) =	sbr.rel @p2 .LBB2_13-.Ltmp8, $4  }
0x149: {  	s7 =	sadd.s32 $0x80, s7;
	v5 =	vshll.u32 v14, $0x1;
	v11 =	vor.u32 $0x80, v13;
	s0 =	sor.u32 $0x80, s29;
	v8 =	vld [tilespmem:s8+$0x0];
	[tilespmem:s15+$0x13000] =	vst v12;
	s15 =	sor.u32 $0x80, s28  }
0x14a: {  	v9 =	vand.u32 $0x7F, v14;
	v10 =	vand.u32 $0xFFFFFF00, v5;
	s28 =	sand.u32 $0x1F00, s7;
	v12 =	vor.u32 $0x80, v3;
	s8 =	smov.u32 s6;
	s6 =	smov.u32 s3;
	v5 =	vld.idx.msk [tilespmem:v15+s26+$0x0], $0xffff  }
0x14b: {  	s16 =	sadd.s32 $0x40, s16;
	v3 =	vor.u32 v9, v10;
	s28 =	sadd.s32 $0x13000, s28;
	v9 =	vld.idx.msk [tilespmem:v16+s26+$0x0], $0xffff;
	[tilespmem:s0+$0x13000] =	vst v18  }
0x14c: {  	v13 =	vshll.u32 v6, $0x1;
	s29 =	sor.u32 s18, s28;
	s0 =	sor.u32 s20, s28;
	s17 =	sor.u32 s17, s28;
	v10 =	vld.idx.msk [tilespmem:v0+s26+$0x0], $0xffff;
	v0 =	vmov v17  }
0x14d: {  	v6 =	vand.u32 $0x7F, v6  }
0x14e: {  	v13 =	vand.u32 $0xFFFFFF00, v13;
	v14 =	vshll.u32 v4, $0x1;
	v53 =	vand.u32 $0x7F, v4  }
0x14f: {  	v6 =	vor.u32 v6, v13;
	v51 =	vand.u32 $0xFFFFFF00, v14;
	v52 =	vshll.u32 v8, $0x1  }
0x150: {  	[tilespmem:s17+$0x0] =	vst v7;
	p1 =	por !p1, !p1;
	s1 =	simm.s32 $0x1;
	v54 =	vand.u32 $0x7F, v8;
	v55 =	vand.u32 $0xFFFFFF00, v52;
	v4 =	vor.u32 v53, v51  }
0x151: {  	[tilespmem:s29+$0x0] =	vst v2;
	v56 =	vld.idx.msk [tilespmem:v11+s26+$0x0], $0xffff;
	s1 =	simm.s32 @!p1 $0x0;
	v7 =	vor.u32 v54, v55  }
0x152: {  	v57 =	vld.idx.msk [tilespmem:v12+s26+$0x0], $0xffff;
	s1 =	sshll.u32 s1, $0x6  }
0x153: {  	s3 =	sor.u32 s8, s28;
	v59 =	vld.idx.msk [tilespmem:v3+s26+$0x0], $0xffff;
	[tilespmem:s0+$0x0] =	vst v5;
	s18 =	sadd.s32 s1, s7  }
0x154: {  	s20 =	sadd.s32 $0x80, s7;
	v60 =	vor.u32 $0x80, v3;
	[tilespmem:s3+$0x0] =	vst v9;
	s1 =	sadd.s32 $0x30, s18;
	v58 =	vld.idx.msk [tilespmem:v6+s26+$0x0], $0xffff  }
0x155: {  	s7 =	sand.u32 $0x1F00, s20;
	[tilespmem:s15+$0x13000] =	vst v10;
	s1 =	sor.u32 $0x80, s1;
	v6 =	vor.u32 $0x80, v6;
	v61 =	vld.idx.msk [tilespmem:v4+s26+$0x0], $0xffff  }
0x156: {  	s28 =	sor.u32 $0x80, s18;
	s29 =	sadd.s32 $0x13000, s7;
	[tilespmem:s1+$0x13000] =	vst v56;
	v4 =	vor.u32 $0x80, v4;
	v62 =	vld.idx.msk [tilespmem:v7+s26+$0x0], $0xffff  }
0x157: {  	v1 =	vld.idx.msk [tilespmem:v1+s26+$0x0], $0xffff;
	s7 =	sor.u32 s19, s29;
	[tilespmem:s28+$0x13000] =	vst v57;
	v7 =	vor.u32 $0x80, v7  }
0x158: {  	v0 =	vld.idx.msk [tilespmem:v0+s26+$0x0], $0xffff;
	s4 =	sor.u32 s4, s29;
	[tilespmem:s7+$0x0] =	vst v59  }
0x159: {  	p1 =	por !p1, !p1;
	s13 =	sor.u32 s11, s29;
	v3 =	vld.idx.msk [tilespmem:v60+s26+$0x0], $0xffff;
	[tilespmem:s4+$0x0] =	vst v58;
	s4 =	simm.s32 $0x1  }
0x15a: {  	s15 =	sadd.s32 $0x10, s18;
	s1 =	sor.u32 s6, s29;
	v5 =	vld.idx.msk [tilespmem:v6+s26+$0x0], $0xffff;
	s4 =	simm.s32 @!p1 $0x0;
	[tilespmem:s13+$0x0] =	vst v61  }
0x15b: {  	s0 =	sadd.s32 $0x20, s18;
	s16 =	sor.u32 $0x80, s15;
	s4 =	sshll.u32 s4, $0x6;
	v4 =	vld.idx.msk [tilespmem:v4+s26+$0x0], $0xffff;
	[tilespmem:s1+$0x0] =	vst v62  }
0x15c: {  	s0 =	sor.u32 $0x80, s0;
	[tilespmem:s16+$0x13000] =	vst v1;
	s3 =	sadd.s32 s4, s20;
	v63 =	vld.idx.msk [tilespmem:v7+s26+$0x0], $0xffff  }
0x15d: {  	[tilespmem:s0+$0x13000] =	vst v0;
	s17 =	sadd.s32 $0x30, s3;
	s19 =	sor.u32 $0x80, s3  }
0x15e: {  	s4 =	sadd.s32 $0x10, s3;
	s18 =	sor.u32 $0x80, s17;
	[tilespmem:s19+$0x13000] =	vst v3  }
0x15f: {  	s20 =	sadd.s32 $0x20, s3;
	s28 =	sor.u32 $0x80, s4;
	[tilespmem:s18+$0x13000] =	vst v5  }
.Ltmp9:
0x160: {  	s0 =	sor.u32 $0x80, s20;
	[tilespmem:s28+$0x13000] =	vst v4;
	(pc) =	sbr.rel @p0 .LBB2_16-.Ltmp9, $4  }
0x161: {  	[tilespmem:s0+$0x13000] =	vst v63  }
0x162: {  	s0 =	rddreg [dreg:$0xf]  }
0x163: {  	s29 =	simm.s32 $0x13000;
	s0 =	sadd.s32 s12, s0  }
0x164: {  	[hbm4b:s0+s21] =	stream.strided.scatter [tilespmem:s29], [sflag:$0x6], $0x2000, s22, s21, $0x38;
	[tilespmem:$0x15000] =	vst v63  }
.Ltmp10:
0x165: {  	s0 =	sadd.s32 s10, s14;
	(pc) =	sbr.rel .LBB2_2-.Ltmp10, $4  }
0x166: {  	s0 =	sshll.u32 s0, $0xA  }
0x167: {  	s1 =	rddreg [dreg:$0x9];
	s0 =	sand.u32 $0xFFE000, s0  }
0x168: {  	s9 =	sadd.s32 $0x1, s9;
	s0 =	sadd.s32 s0, s1  }
0x169: {  	[tilespmem:s26], [sflag:$0x4] =	stream.strided.gather [hbm4b:s0+s21], $0x4000, s22, s21, $0x38;
	[tilespmem:$0x15000] =	vst v63  }
.LBB2_17:
0x16a: {  	_ =	sfence.sel $0x180000  }
0x16b: {  	[bflag:$0x0] =	sbarrier.arrive $0xFFFF  }
0x16c: {  	_ =	strace $0x90000047  }
0x16d: {  	s0 =	stileid.u32;
	[bflag:$0x2] =	sbarrier.arrive $0xFFFF  }
0x16e: {  	p0 =	sne.s32 s0, $0x0;
	s0 =	rddreg [dreg:$0x3]  }
0x16f: {  	s0 =	sadd.s32 @!p0 $0x100000, s0  }
0x170: {  	[sflag:s0] =	ssyncadd.tile.s32 @!p0 $0x1;
	_ =	shalt  }
.Lfunc_end2:
_tile_overlayer_lowered:
.L_overlay_start_2:
0x171: {  	(tag) =	ssettag $0x2  }
0x172: {  	s0 =	rddreg [dreg:$0x0];
	s2 =	stileid.u32  }
0x173: {  	s1 =	rddreg [dreg:$0x1];
	p0 =	sne.s32 s2, $0x0  }
0x174: {  	s3 =	rddreg [dreg:$0x2];
	[bflag:$0x3] =	sbarrier.arrive $0xFFFF;
	s2 =	simm.s32 @!p0 $0x1C07  }
0x175: {  	[timem:s3], [sflag:s2] =	dma.local @!p0 [hbm:s0], s1  }
0x176: {  	s0 =	simm.s32 @!p0 $0x7  }
0x177: {  	_ =	swait.ge @!p0 [sflag:s0], s1  }
0x178: {  	s1 =	ssub.s32 @!p0 $0x0, s1;
	[sflag:s0] =	ssyncset.done @!p0 $0x0  }
0x179: {  	[sflag:s0] =	ssyncadd.s32 @!p0 s1  }
0x17a: {  	[bflag:$0x3] =	sbarrier.arrive $0xFFFF  }
0x17b: {  	_ =	shalt  }

</sc_bundles>
